<compile_context>
chip_gen: v7x
topology: tpu7x:2x2x1
jax: 0.10.2.dev20260603
libtpu: 0.0.44.dev20260713+nightly
codegen_flags: <defaults>
</compile_context>

<pallas_src>
import functools
import jax
import jax.numpy as jnp
from jax import lax
from jax.experimental import pallas as pl
from jax.experimental.pallas import tpu as pltpu
from jax.experimental.pallas import tpu_sc as plsc

EPS = 1e-5
NC, NS, L = 2, 16, 16
NW = NC * NS
CHUNK = 16


def _rsqrt_nr(t):
    i = lax.bitcast_convert_type(t, jnp.int32)
    i = jnp.int32(0x5F3759DF) - lax.shift_right_arithmetic(i, 1)
    y = lax.bitcast_convert_type(i, jnp.float32)
    half = t * 0.5
    for _ in range(3):
        y = y * (1.5 - half * y * y)
    return y


def kernel(x, pos_emb, ln_gamma, ln_beta):
    B, S, D = x.shape
    vecs = D // L
    x2 = x.reshape(B * S, D)
    s_per_w = S // NW
    n_chunks = s_per_w // CHUNK
    T = n_chunks * B
    inv_d = 1.0 / D
    mesh = plsc.VectorSubcoreMesh(core_axis_name="c", subcore_axis_name="s")

    @functools.partial(
        pl.kernel,
        mesh=mesh,
        compiler_params=pltpu.CompilerParams(needs_layout_passes=False),
        out_type=jax.ShapeDtypeStruct((B * S, D), jnp.float32),
        scratch_types=[
            pltpu.VMEM((2, CHUNK, D), jnp.float32),
            pltpu.VMEM((2, CHUNK, D), jnp.float32),
            pltpu.VMEM((CHUNK, D), jnp.float32),
            pltpu.VMEM((D,), jnp.float32),
            pltpu.VMEM((D,), jnp.float32),
            pltpu.VMEM((CHUNK, L), jnp.float32),
            pltpu.SemaphoreType.DMA,
            pltpu.SemaphoreType.DMA,
        ],
    )
    def k(x_hbm, pos_hbm, g_hbm, b_hbm, out_hbm, xv, ov, pv, gv, bv, red, si, so):
        wid = lax.axis_index("s") * NC + lax.axis_index("c")
        s_base = wid * s_per_w
        pltpu.sync_copy(g_hbm, gv)
        pltpu.sync_copy(b_hbm, bv)
        iota = lax.iota(jnp.int32, L)

        def task_row(u):
            b = lax.bitwise_and(u, B - 1)
            c = lax.shift_right_logical(u, 2)
            return b * S + s_base + c * CHUNK

        def start_in(u, slot):
            pltpu.make_async_copy(
                x_hbm.at[pl.ds(task_row(u), CHUNK)], xv.at[slot], si
            ).start()

        def wait_chunk(sem):
            pltpu.make_async_copy(
                x_hbm.at[pl.ds(0, CHUNK)], xv.at[0], sem
            ).wait()

        dnums = lax.GatherDimensionNumbers(
            offset_dims=(), collapsed_slice_dims=(0,), start_index_map=(0,))

        def lanesum(v):
            for k_ in (1, 2, 4, 8):
                perm = lax.gather(
                    v, lax.bitwise_xor(iota, k_)[:, None], dnums,
                    slice_sizes=(1,),
                    mode=lax.GatherScatterMode.PROMISE_IN_BOUNDS)
                v = v + perm
            return v

        def compute_chunk(slot):
            @plsc.parallel_loop(0, CHUNK, unroll=2)
            def row_body(i):
                zero = jnp.zeros((L,), jnp.float32)

                @plsc.parallel_loop(0, vecs, unroll=8, carry=(zero, zero))
                def acc(j, c):
                    a1, a2 = c
                    sl = pl.ds(j * L, L)
                    e = xv[slot, i, sl] + pv[i, sl]
                    ov[slot, i, sl] = e
                    return a1 + e, a2 + e * e

                a1, a2 = acc
                mean = lanesum(a1) * inv_d
                msq = lanesum(a2) * inv_d
                inv = _rsqrt_nr(msq - mean * mean + EPS)
                shift = mean * inv

                @plsc.parallel_loop(0, vecs, unroll=8)
                def norm(j):
                    sl = pl.ds(j * L, L)
                    e = ov[slot, i, sl]
                    ov[slot, i, sl] = (e * inv - shift) * gv[sl] + bv[sl]

        start_in(0, 0)
        start_in(1, 1)

        def task_body(t, _):
            slot = lax.bitwise_and(t, 1)

            @pl.when(lax.bitwise_and(t, B - 1) == 0)
            def _():
                srow = s_base + lax.shift_right_logical(t, 2) * CHUNK
                pltpu.sync_copy(pos_hbm.at[pl.ds(srow, CHUNK)], pv)

            wait_chunk(si)

            @pl.when(t >= 2)
            def _():
                wait_chunk(so)

            compute_chunk(slot)
            pltpu.make_async_copy(
                ov.at[slot], out_hbm.at[pl.ds(task_row(t), CHUNK)], so
            ).start()

            @pl.when(t + 2 < T)
            def _():
                start_in(t + 2, slot)

            return 0

        lax.fori_loop(0, T, task_body, 0)
        wait_chunk(so)
        wait_chunk(so)

    return k(x2, pos_emb, ln_gamma, ln_beta).reshape(B, S, D)

# --- scband reference (transcript-rebuilt; emitter-appended) ---
"""Pipeline reference for scband-positional-embedding-73057393705585 (READ-ONLY COPY).

The authoritative reference and input builder live on the scoring server;
editing this copy changes nothing except your own understanding.
"""

import jax, jax.numpy as jnp
import numpy as np

B, S, D = 4, 4096, 1024
MAX_LEN = 4096
EPS = 1e-5

def setup_inputs(seed: int = 0) -> dict:
    key = jax.random.key(seed)
    k1, k2 = jax.random.split(key)
    x = jax.random.normal(k1, (B, S, D), dtype=jnp.float32)
    pos_emb = jax.random.normal(k2, (MAX_LEN, D), dtype=jnp.float32) * 0.02
    ln_gamma = jnp.ones((D,), dtype=jnp.float32)
    ln_beta = jnp.zeros((D,), dtype=jnp.float32)
    return {"x": x, "pos_emb": pos_emb, "ln_gamma": ln_gamma, "ln_beta": ln_beta}

def reference(x, pos_emb, ln_gamma, ln_beta):
    # batch_first=True, batched input: seq dim is 1
    seq_length = x.shape[1]
    position_ids = jnp.arange(seq_length, dtype=jnp.int32)
    position_embeds = jnp.take(pos_emb, position_ids, axis=0)  # [S, D]
    embeddings = x + position_embeds[None, :, :]
    mean = jnp.mean(embeddings, axis=-1, keepdims=True)
    var = jnp.var(embeddings, axis=-1, keepdims=True)
    normed = (embeddings - mean) / jnp.sqrt(var + EPS)
    out = normed * ln_gamma + ln_beta
    # dropout p=0.0 (eval/identity)
    return out

if __name__ == "__main__":
    import jax
    _d = setup_inputs()
    print(jax.jit(kernel)(*tuple(_d.values())))

</pallas_src>

<mosaic_0001>
#map = affine_map<(d0, d1) -> (0, 0)>
#map1 = affine_map<(d0, d1) -> (0)>
module attributes {stable_mosaic.version = 14 : i64} {
  func.func @k(%arg0: i32, %arg1: i32, %arg2: memref<16384x1024xf32, #tpu.memory_space<hbm>>, %arg3: memref<4096x1024xf32, #tpu.memory_space<hbm>>, %arg4: memref<1024xf32, #tpu.memory_space<hbm>>, %arg5: memref<1024xf32, #tpu.memory_space<hbm>>, %arg6: memref<16384x1024xf32, #tpu.memory_space<hbm>>, %arg7: memref<2x16x1024xf32, #tpu.memory_space<vmem>>, %arg8: memref<2x16x1024xf32, #tpu.memory_space<vmem>>, %arg9: memref<16x1024xf32, #tpu.memory_space<vmem>>, %arg10: memref<1024xf32, #tpu.memory_space<vmem>>, %arg11: memref<1024xf32, #tpu.memory_space<vmem>>, %arg12: memref<16x16xf32, #tpu.memory_space<vmem>>, %arg13: memref<!tpu.dma_semaphore, #tpu.memory_space<semaphore_mem>>, %arg14: memref<!tpu.dma_semaphore, #tpu.memory_space<semaphore_mem>>) attributes {dimension_semantics = [#tpu.dimension_semantics<core_parallel>, #tpu.dimension_semantics<subcore_parallel>], iteration_bounds = array<i64: 2, 16>, scalar_prefetch = 0 : i64, scratch_operands = 8 : i64, tpu.core_type = #tpu.core_type<sc_vector_subcore>, window_params = [{transform_indices = #map}, {transform_indices = #map}, {transform_indices = #map1}, {transform_indices = #map1}, {transform_indices = #map}]} {
    %mul3A = arith.constant 2 : i32
    %mul3A_0 = arith.muli %arg1, %mul3A : i32
    %add3A = arith.addi %mul3A_0, %arg0 : i32
    %mul3A_1 = arith.constant 128 : i32
    %mul3A_2 = arith.muli %add3A, %mul3A_1 : i32
    "tpu.region"() ({
      %run_scoped3A = tpu.sem_alloc : memref<!tpu.dma_semaphore, #tpu.memory_space<semaphore_mem>>
      tpu.enqueue_dma source(%arg4 : memref<1024xf32, #tpu.memory_space<hbm>>) target(%arg10 : memref<1024xf32, #tpu.memory_space<vmem>>) target_semaphore(%run_scoped3A : memref<!tpu.dma_semaphore, #tpu.memory_space<semaphore_mem>>)
      tpu.wait_dma2 semaphore(%run_scoped3A : memref<!tpu.dma_semaphore, #tpu.memory_space<semaphore_mem>>) src(%arg4 : memref<1024xf32, #tpu.memory_space<hbm>>) dst(%arg10 : memref<1024xf32, #tpu.memory_space<vmem>>)
      tpu.yield
    }) : () -> ()
    "tpu.region"() ({
      %run_scoped3A = tpu.sem_alloc : memref<!tpu.dma_semaphore, #tpu.memory_space<semaphore_mem>>
      tpu.enqueue_dma source(%arg5 : memref<1024xf32, #tpu.memory_space<hbm>>) target(%arg11 : memref<1024xf32, #tpu.memory_space<vmem>>) target_semaphore(%run_scoped3A : memref<!tpu.dma_semaphore, #tpu.memory_space<semaphore_mem>>)
      tpu.wait_dma2 semaphore(%run_scoped3A : memref<!tpu.dma_semaphore, #tpu.memory_space<semaphore_mem>>) src(%arg5 : memref<1024xf32, #tpu.memory_space<hbm>>) dst(%arg11 : memref<1024xf32, #tpu.memory_space<vmem>>)
      tpu.yield
    }) : () -> ()
    %iota3A = tpu.iota {dimensions = array<i32: 0>} : vector<16xi32>
    %and3A = arith.constant 0 : i32
    %and3A_3 = arith.constant 3 : i32
    %and3A_4 = arith.andi %and3A, %and3A_3 : i32
    %shift_right_logical3A = arith.constant 0 : i32
    %shift_right_logical3A_5 = arith.constant 2 : i32
    %shift_right_logical3A_6 = arith.shrui %shift_right_logical3A, %shift_right_logical3A_5 : i32
    %mul3A_7 = arith.constant 4096 : i32
    %mul3A_8 = arith.muli %and3A_4, %mul3A_7 : i32
    %add3A_9 = arith.addi %mul3A_8, %mul3A_2 : i32
    %mul3A_10 = arith.constant 16 : i32
    %mul3A_11 = arith.muli %shift_right_logical3A_6, %mul3A_10 : i32
    %add3A_12 = arith.addi %add3A_9, %mul3A_11 : i32
    %dma_start3A = arith.constant 0 : i32
    %dma_start3A_13 = arith.constant 0 : i32
    %dma_start3A_14 = arith.constant 0 : i32
    %dma_start3A_15 = tpu.memref_slice %arg7[%dma_start3A, %dma_start3A_13, %dma_start3A_14] : memref<2x16x1024xf32, #tpu.memory_space<vmem>> -> memref<1x16x1024xf32, #tpu.memory_space<vmem>>
    %dma_start3A_16 = tpu.memref_squeeze %dma_start3A_15 : memref<1x16x1024xf32, #tpu.memory_space<vmem>> -> memref<16x1024xf32, #tpu.memory_space<vmem>>
    %dma_start3A_17 = arith.constant 0 : i32
    %dma_start3A_18 = tpu.memref_slice %arg2[%add3A_12, %dma_start3A_17] : memref<16384x1024xf32, #tpu.memory_space<hbm>> -> memref<16x1024xf32, #tpu.memory_space<hbm>>
    %dma_start3A_19 = arith.constant 0 : i32
    %dma_start3A_20 = arith.constant 0 : i32
    %dma_start3A_21 = tpu.memref_slice %arg7[%dma_start3A, %dma_start3A_19, %dma_start3A_20] : memref<2x16x1024xf32, #tpu.memory_space<vmem>> -> memref<1x16x1024xf32, #tpu.memory_space<vmem>>
    %dma_start3A_22 = tpu.memref_squeeze %dma_start3A_21 : memref<1x16x1024xf32, #tpu.memory_space<vmem>> -> memref<16x1024xf32, #tpu.memory_space<vmem>>
    %dma_start3A_23 = arith.constant 0 : i32
    %dma_start3A_24 = tpu.memref_slice %arg2[%add3A_12, %dma_start3A_23] : memref<16384x1024xf32, #tpu.memory_space<hbm>> -> memref<16x1024xf32, #tpu.memory_space<hbm>>
    tpu.enqueue_dma source(%dma_start3A_24 : memref<16x1024xf32, #tpu.memory_space<hbm>>) target(%dma_start3A_22 : memref<16x1024xf32, #tpu.memory_space<vmem>>) target_semaphore(%arg13 : memref<!tpu.dma_semaphore, #tpu.memory_space<semaphore_mem>>)
    %and3A_25 = arith.constant 1 : i32
    %and3A_26 = arith.constant 3 : i32
    %and3A_27 = arith.andi %and3A_25, %and3A_26 : i32
    %shift_right_logical3A_28 = arith.constant 1 : i32
    %shift_right_logical3A_29 = arith.constant 2 : i32
    %shift_right_logical3A_30 = arith.shrui %shift_right_logical3A_28, %shift_right_logical3A_29 : i32
    %mul3A_31 = arith.constant 4096 : i32
    %mul3A_32 = arith.muli %and3A_27, %mul3A_31 : i32
    %add3A_33 = arith.addi %mul3A_32, %mul3A_2 : i32
    %mul3A_34 = arith.constant 16 : i32
    %mul3A_35 = arith.muli %shift_right_logical3A_30, %mul3A_34 : i32
    %add3A_36 = arith.addi %add3A_33, %mul3A_35 : i32
    %dma_start3A_37 = arith.constant 1 : i32
    %dma_start3A_38 = arith.constant 0 : i32
    %dma_start3A_39 = arith.constant 0 : i32
    %dma_start3A_40 = tpu.memref_slice %arg7[%dma_start3A_37, %dma_start3A_38, %dma_start3A_39] : memref<2x16x1024xf32, #tpu.memory_space<vmem>> -> memref<1x16x1024xf32, #tpu.memory_space<vmem>>
    %dma_start3A_41 = tpu.memref_squeeze %dma_start3A_40 : memref<1x16x1024xf32, #tpu.memory_space<vmem>> -> memref<16x1024xf32, #tpu.memory_space<vmem>>
    %dma_start3A_42 = arith.constant 0 : i32
    %dma_start3A_43 = tpu.memref_slice %arg2[%add3A_36, %dma_start3A_42] : memref<16384x1024xf32, #tpu.memory_space<hbm>> -> memref<16x1024xf32, #tpu.memory_space<hbm>>
    %dma_start3A_44 = arith.constant 0 : i32
    %dma_start3A_45 = arith.constant 0 : i32
    %dma_start3A_46 = tpu.memref_slice %arg7[%dma_start3A_37, %dma_start3A_44, %dma_start3A_45] : memref<2x16x1024xf32, #tpu.memory_space<vmem>> -> memref<1x16x1024xf32, #tpu.memory_space<vmem>>
    %dma_start3A_47 = tpu.memref_squeeze %dma_start3A_46 : memref<1x16x1024xf32, #tpu.memory_space<vmem>> -> memref<16x1024xf32, #tpu.memory_space<vmem>>
    %dma_start3A_48 = arith.constant 0 : i32
    %dma_start3A_49 = tpu.memref_slice %arg2[%add3A_36, %dma_start3A_48] : memref<16384x1024xf32, #tpu.memory_space<hbm>> -> memref<16x1024xf32, #tpu.memory_space<hbm>>
    tpu.enqueue_dma source(%dma_start3A_49 : memref<16x1024xf32, #tpu.memory_space<hbm>>) target(%dma_start3A_47 : memref<16x1024xf32, #tpu.memory_space<vmem>>) target_semaphore(%arg13 : memref<!tpu.dma_semaphore, #tpu.memory_space<semaphore_mem>>)
    %scan3A = arith.constant 0 : i32
    %scan3A_50 = arith.constant 0 : i32
    %scan3A_51 = arith.constant 32 : i32
    %scan3A_52 = arith.addi %scan3A_50, %scan3A_51 : i32
    %scan3A_53 = arith.constant 1 : i32
    %scan3A_54 = scf.for %scan3A_85 = %scan3A_50 to %scan3A_52 step %scan3A_53 iter_args(%scan3A_86 = %scan3A) -> (i32)  : i32 {
      %and3A_87 = arith.constant 1 : i32
      %and3A_88 = arith.andi %scan3A_85, %and3A_87 : i32
      %and3A_89 = arith.constant 3 : i32
      %and3A_90 = arith.andi %scan3A_85, %and3A_89 : i32
      %eq3A = arith.constant 0 : i32
      %eq3A_91 = arith.cmpi eq, %and3A_90, %eq3A : i32
      %convert_element_type3A = arith.extui %eq3A_91 : i1 to i32
      %cond3A = arith.constant 0 : i32
      %cond3A_92 = arith.cmpi ne, %convert_element_type3A, %cond3A : i32
      scf.if %cond3A_92 {
        %shift_right_logical3A_143 = arith.constant 2 : i32
        %shift_right_logical3A_144 = arith.shrui %scan3A_85, %shift_right_logical3A_143 : i32
        %mul3A_145 = arith.constant 16 : i32
        %mul3A_146 = arith.muli %shift_right_logical3A_144, %mul3A_145 : i32
        %add3A_147 = arith.addi %mul3A_2, %mul3A_146 : i32
        "tpu.region"() ({
          %run_scoped3A = tpu.sem_alloc : memref<!tpu.dma_semaphore, #tpu.memory_space<semaphore_mem>>
          %dma_start3A_148 = arith.constant 0 : i32
          %dma_start3A_149 = tpu.memref_slice %arg3[%add3A_147, %dma_start3A_148] : memref<4096x1024xf32, #tpu.memory_space<hbm>> -> memref<16x1024xf32, #tpu.memory_space<hbm>>
          %dma_start3A_150 = arith.constant 0 : i32
          %dma_start3A_151 = tpu.memref_slice %arg3[%add3A_147, %dma_start3A_150] : memref<4096x1024xf32, #tpu.memory_space<hbm>> -> memref<16x1024xf32, #tpu.memory_space<hbm>>
          tpu.enqueue_dma source(%dma_start3A_151 : memref<16x1024xf32, #tpu.memory_space<hbm>>) target(%arg9 : memref<16x1024xf32, #tpu.memory_space<vmem>>) target_semaphore(%run_scoped3A : memref<!tpu.dma_semaphore, #tpu.memory_space<semaphore_mem>>)
          %dma_wait3A_152 = arith.constant 0 : i32
          %dma_wait3A_153 = tpu.memref_slice %arg3[%add3A_147, %dma_wait3A_152] : memref<4096x1024xf32, #tpu.memory_space<hbm>> -> memref<16x1024xf32, #tpu.memory_space<hbm>>
          %dma_wait3A_154 = arith.constant 0 : i32
          %dma_wait3A_155 = tpu.memref_slice %arg3[%add3A_147, %dma_wait3A_154] : memref<4096x1024xf32, #tpu.memory_space<hbm>> -> memref<16x1024xf32, #tpu.memory_space<hbm>>
          tpu.wait_dma2 semaphore(%run_scoped3A : memref<!tpu.dma_semaphore, #tpu.memory_space<semaphore_mem>>) src(%dma_wait3A_155 : memref<16x1024xf32, #tpu.memory_space<hbm>>) dst(%arg9 : memref<16x1024xf32, #tpu.memory_space<vmem>>)
          tpu.yield
        }) : () -> ()
      } else {
      }
      %dma_wait3A_93 = arith.constant 0 : i32
      %dma_wait3A_94 = arith.constant 0 : i32
      %dma_wait3A_95 = arith.constant 0 : i32
      %dma_wait3A_96 = tpu.memref_slice %arg7[%dma_wait3A_93, %dma_wait3A_94, %dma_wait3A_95] : memref<2x16x1024xf32, #tpu.memory_space<vmem>> -> memref<1x16x1024xf32, #tpu.memory_space<vmem>>
      %dma_wait3A_97 = tpu.memref_squeeze %dma_wait3A_96 : memref<1x16x1024xf32, #tpu.memory_space<vmem>> -> memref<16x1024xf32, #tpu.memory_space<vmem>>
      %dma_wait3A_98 = arith.constant 0 : i32
      %dma_wait3A_99 = arith.constant 0 : i32
      %dma_wait3A_100 = tpu.memref_slice %arg2[%dma_wait3A_98, %dma_wait3A_99] : memref<16384x1024xf32, #tpu.memory_space<hbm>> -> memref<16x1024xf32, #tpu.memory_space<hbm>>
      %dma_wait3A_101 = arith.constant 0 : i32
      %dma_wait3A_102 = arith.constant 0 : i32
      %dma_wait3A_103 = tpu.memref_slice %arg7[%dma_wait3A_93, %dma_wait3A_101, %dma_wait3A_102] : memref<2x16x1024xf32, #tpu.memory_space<vmem>> -> memref<1x16x1024xf32, #tpu.memory_space<vmem>>
      %dma_wait3A_104 = tpu.memref_squeeze %dma_wait3A_103 : memref<1x16x1024xf32, #tpu.memory_space<vmem>> -> memref<16x1024xf32, #tpu.memory_space<vmem>>
      %dma_wait3A_105 = arith.constant 0 : i32
      %dma_wait3A_106 = arith.constant 0 : i32
      %dma_wait3A_107 = tpu.memref_slice %arg2[%dma_wait3A_105, %dma_wait3A_106] : memref<16384x1024xf32, #tpu.memory_space<hbm>> -> memref<16x1024xf32, #tpu.memory_space<hbm>>
      tpu.wait_dma2 semaphore(%arg13 : memref<!tpu.dma_semaphore, #tpu.memory_space<semaphore_mem>>) src(%dma_wait3A_107 : memref<16x1024xf32, #tpu.memory_space<hbm>>) dst(%dma_wait3A_104 : memref<16x1024xf32, #tpu.memory_space<vmem>>)
      %ge3A = arith.constant 2 : i32
      %ge3A_108 = arith.cmpi sge, %scan3A_85, %ge3A : i32
      %convert_element_type3A_109 = arith.extui %ge3A_108 : i1 to i32
      %cond3A_110 = arith.constant 0 : i32
      %cond3A_111 = arith.cmpi ne, %convert_element_type3A_109, %cond3A_110 : i32
      scf.if %cond3A_111 {
        %dma_wait3A_143 = arith.constant 0 : i32
        %dma_wait3A_144 = arith.constant 0 : i32
        %dma_wait3A_145 = arith.constant 0 : i32
        %dma_wait3A_146 = tpu.memref_slice %arg7[%dma_wait3A_143, %dma_wait3A_144, %dma_wait3A_145] : memref<2x16x1024xf32, #tpu.memory_space<vmem>> -> memref<1x16x1024xf32, #tpu.memory_space<vmem>>
        %dma_wait3A_147 = tpu.memref_squeeze %dma_wait3A_146 : memref<1x16x1024xf32, #tpu.memory_space<vmem>> -> memref<16x1024xf32, #tpu.memory_space<vmem>>
        %dma_wait3A_148 = arith.constant 0 : i32
        %dma_wait3A_149 = arith.constant 0 : i32
        %dma_wait3A_150 = tpu.memref_slice %arg2[%dma_wait3A_148, %dma_wait3A_149] : memref<16384x1024xf32, #tpu.memory_space<hbm>> -> memref<16x1024xf32, #tpu.memory_space<hbm>>
        %dma_wait3A_151 = arith.constant 0 : i32
        %dma_wait3A_152 = arith.constant 0 : i32
        %dma_wait3A_153 = tpu.memref_slice %arg7[%dma_wait3A_143, %dma_wait3A_151, %dma_wait3A_152] : memref<2x16x1024xf32, #tpu.memory_space<vmem>> -> memref<1x16x1024xf32, #tpu.memory_space<vmem>>
        %dma_wait3A_154 = tpu.memref_squeeze %dma_wait3A_153 : memref<1x16x1024xf32, #tpu.memory_space<vmem>> -> memref<16x1024xf32, #tpu.memory_space<vmem>>
        %dma_wait3A_155 = arith.constant 0 : i32
        %dma_wait3A_156 = arith.constant 0 : i32
        %dma_wait3A_157 = tpu.memref_slice %arg2[%dma_wait3A_155, %dma_wait3A_156] : memref<16384x1024xf32, #tpu.memory_space<hbm>> -> memref<16x1024xf32, #tpu.memory_space<hbm>>
        tpu.wait_dma2 semaphore(%arg14 : memref<!tpu.dma_semaphore, #tpu.memory_space<semaphore_mem>>) src(%dma_wait3A_157 : memref<16x1024xf32, #tpu.memory_space<hbm>>) dst(%dma_wait3A_154 : memref<16x1024xf32, #tpu.memory_space<vmem>>)
      } else {
      }
      %parallel_loop3A = arith.constant 0 : i32
      %parallel_loop3A_112 = arith.constant 16 : i32
      %parallel_loop3A_113 = arith.constant 1 : i32
      scf.for %parallel_loop3A_143 = %parallel_loop3A to %parallel_loop3A_112 step %parallel_loop3A_113  : i32 {
        %parallel_loop3A_144 = arith.constant 0.000000e+00 : f32
        %parallel_loop3A_145 = vector.broadcast %parallel_loop3A_144 : f32 to vector<16xf32>
        %parallel_loop3A_146 = arith.constant 0 : i32
        %parallel_loop3A_147 = arith.constant 64 : i32
        %parallel_loop3A_148 = arith.constant 1 : i32
        %parallel_loop3A_149:2 = scf.for %parallel_loop3A_250 = %parallel_loop3A_146 to %parallel_loop3A_147 step %parallel_loop3A_148 iter_args(%parallel_loop3A_251 = %parallel_loop3A_145, %parallel_loop3A_252 = %parallel_loop3A_145) -> (vector<16xf32>, vector<16xf32>)  : i32 {
          %parallel_loop3A_253 = arith.constant 16 : i32
          %parallel_loop3A_254 = arith.muli %parallel_loop3A_250, %parallel_loop3A_253 : i32
          %parallel_loop3A_255 = arith.index_cast %and3A_88 : i32 to index
          %parallel_loop3A_256 = arith.index_cast %parallel_loop3A_143 : i32 to index
          %parallel_loop3A_257 = arith.index_cast %parallel_loop3A_254 : i32 to index
          %parallel_loop3A_258 = tpu.vector_load %arg7[%parallel_loop3A_255, %parallel_loop3A_256, %parallel_loop3A_257] {strides = array<i32>} : memref<2x16x1024xf32, #tpu.memory_space<vmem>>, vector<16xf32>,
          %parallel_loop3A_259 = arith.index_cast %parallel_loop3A_143 : i32 to index
          %parallel_loop3A_260 = arith.index_cast %parallel_loop3A_254 : i32 to index
          %parallel_loop3A_261 = tpu.vector_load %arg9[%parallel_loop3A_259, %parallel_loop3A_260] {strides = array<i32>} : memref<16x1024xf32, #tpu.memory_space<vmem>>, vector<16xf32>,
          %parallel_loop3A_262 = arith.addf %parallel_loop3A_258, %parallel_loop3A_261 : vector<16xf32>
          %parallel_loop3A_263 = arith.index_cast %and3A_88 : i32 to index
          %parallel_loop3A_264 = arith.index_cast %parallel_loop3A_143 : i32 to index
          %parallel_loop3A_265 = arith.index_cast %parallel_loop3A_254 : i32 to index
          %parallel_loop3A_266 = tpu.vector_load %arg8[%parallel_loop3A_263, %parallel_loop3A_264, %parallel_loop3A_265] {strides = array<i32>} : memref<2x16x1024xf32, #tpu.memory_space<vmem>>, vector<16xf32>,
          tpu.vector_store %arg8[%parallel_loop3A_263, %parallel_loop3A_264, %parallel_loop3A_265], %parallel_loop3A_262 {strides = array<i32>} : memref<2x16x1024xf32, #tpu.memory_space<vmem>>, vector<16xf32>,
          %parallel_loop3A_267 = arith.addf %parallel_loop3A_251, %parallel_loop3A_262 : vector<16xf32>
          %parallel_loop3A_268 = arith.mulf %parallel_loop3A_262, %parallel_loop3A_262 : vector<16xf32>
          %parallel_loop3A_269 = arith.addf %parallel_loop3A_252, %parallel_loop3A_268 : vector<16xf32>
          scf.yield %parallel_loop3A_267, %parallel_loop3A_269 : vector<16xf32>, vector<16xf32>
        } {sc.loop_unroll_factor = 8 : i64, sc.parallel_access}
        %parallel_loop3A_150 = arith.constant 1 : i32
        %parallel_loop3A_151 = vector.broadcast %parallel_loop3A_150 : i32 to vector<16xi32>
        %parallel_loop3A_152 = arith.xori %iota3A, %parallel_loop3A_151 : vector<16xi32>
        %parallel_loop3A_153 = vector.shape_cast %parallel_loop3A_152 : vector<16xi32> to vector<16x1xi32>
        %parallel_loop3A_154 = vector.shape_cast %parallel_loop3A_153 : vector<16x1xi32> to vector<16xi32>
        %parallel_loop3A_155 = tpu.dynamic_gather %parallel_loop3A_149#0[%parallel_loop3A_154] in [0] : vector<16xf32>, vector<16xi32> -> vector<16xf32>
        %parallel_loop3A_156 = arith.addf %parallel_loop3A_149#0, %parallel_loop3A_155 : vector<16xf32>
        %parallel_loop3A_157 = arith.constant 2 : i32
        %parallel_loop3A_158 = vector.broadcast %parallel_loop3A_157 : i32 to vector<16xi32>
        %parallel_loop3A_159 = arith.xori %iota3A, %parallel_loop3A_158 : vector<16xi32>
        %parallel_loop3A_160 = vector.shape_cast %parallel_loop3A_159 : vector<16xi32> to vector<16x1xi32>
        %parallel_loop3A_161 = vector.shape_cast %parallel_loop3A_160 : vector<16x1xi32> to vector<16xi32>
        %parallel_loop3A_162 = tpu.dynamic_gather %parallel_loop3A_156[%parallel_loop3A_161] in [0] : vector<16xf32>, vector<16xi32> -> vector<16xf32>
        %parallel_loop3A_163 = arith.addf %parallel_loop3A_156, %parallel_loop3A_162 : vector<16xf32>
        %parallel_loop3A_164 = arith.constant 4 : i32
        %parallel_loop3A_165 = vector.broadcast %parallel_loop3A_164 : i32 to vector<16xi32>
        %parallel_loop3A_166 = arith.xori %iota3A, %parallel_loop3A_165 : vector<16xi32>
        %parallel_loop3A_167 = vector.shape_cast %parallel_loop3A_166 : vector<16xi32> to vector<16x1xi32>
        %parallel_loop3A_168 = vector.shape_cast %parallel_loop3A_167 : vector<16x1xi32> to vector<16xi32>
        %parallel_loop3A_169 = tpu.dynamic_gather %parallel_loop3A_163[%parallel_loop3A_168] in [0] : vector<16xf32>, vector<16xi32> -> vector<16xf32>
        %parallel_loop3A_170 = arith.addf %parallel_loop3A_163, %parallel_loop3A_169 : vector<16xf32>
        %parallel_loop3A_171 = arith.constant 8 : i32
        %parallel_loop3A_172 = vector.broadcast %parallel_loop3A_171 : i32 to vector<16xi32>
        %parallel_loop3A_173 = arith.xori %iota3A, %parallel_loop3A_172 : vector<16xi32>
        %parallel_loop3A_174 = vector.shape_cast %parallel_loop3A_173 : vector<16xi32> to vector<16x1xi32>
        %parallel_loop3A_175 = vector.shape_cast %parallel_loop3A_174 : vector<16x1xi32> to vector<16xi32>
        %parallel_loop3A_176 = tpu.dynamic_gather %parallel_loop3A_170[%parallel_loop3A_175] in [0] : vector<16xf32>, vector<16xi32> -> vector<16xf32>
        %parallel_loop3A_177 = arith.addf %parallel_loop3A_170, %parallel_loop3A_176 : vector<16xf32>
        %parallel_loop3A_178 = arith.constant 9.765625E-4 : f32
        %parallel_loop3A_179 = vector.broadcast %parallel_loop3A_178 : f32 to vector<16xf32>
        %parallel_loop3A_180 = arith.mulf %parallel_loop3A_177, %parallel_loop3A_179 : vector<16xf32>
        %parallel_loop3A_181 = arith.constant 1 : i32
        %parallel_loop3A_182 = vector.broadcast %parallel_loop3A_181 : i32 to vector<16xi32>
        %parallel_loop3A_183 = arith.xori %iota3A, %parallel_loop3A_182 : vector<16xi32>
        %parallel_loop3A_184 = vector.shape_cast %parallel_loop3A_183 : vector<16xi32> to vector<16x1xi32>
        %parallel_loop3A_185 = vector.shape_cast %parallel_loop3A_184 : vector<16x1xi32> to vector<16xi32>
        %parallel_loop3A_186 = tpu.dynamic_gather %parallel_loop3A_149#1[%parallel_loop3A_185] in [0] : vector<16xf32>, vector<16xi32> -> vector<16xf32>
        %parallel_loop3A_187 = arith.addf %parallel_loop3A_149#1, %parallel_loop3A_186 : vector<16xf32>
        %parallel_loop3A_188 = arith.constant 2 : i32
        %parallel_loop3A_189 = vector.broadcast %parallel_loop3A_188 : i32 to vector<16xi32>
        %parallel_loop3A_190 = arith.xori %iota3A, %parallel_loop3A_189 : vector<16xi32>
        %parallel_loop3A_191 = vector.shape_cast %parallel_loop3A_190 : vector<16xi32> to vector<16x1xi32>
        %parallel_loop3A_192 = vector.shape_cast %parallel_loop3A_191 : vector<16x1xi32> to vector<16xi32>
        %parallel_loop3A_193 = tpu.dynamic_gather %parallel_loop3A_187[%parallel_loop3A_192] in [0] : vector<16xf32>, vector<16xi32> -> vector<16xf32>
        %parallel_loop3A_194 = arith.addf %parallel_loop3A_187, %parallel_loop3A_193 : vector<16xf32>
        %parallel_loop3A_195 = arith.constant 4 : i32
        %parallel_loop3A_196 = vector.broadcast %parallel_loop3A_195 : i32 to vector<16xi32>
        %parallel_loop3A_197 = arith.xori %iota3A, %parallel_loop3A_196 : vector<16xi32>
        %parallel_loop3A_198 = vector.shape_cast %parallel_loop3A_197 : vector<16xi32> to vector<16x1xi32>
        %parallel_loop3A_199 = vector.shape_cast %parallel_loop3A_198 : vector<16x1xi32> to vector<16xi32>
        %parallel_loop3A_200 = tpu.dynamic_gather %parallel_loop3A_194[%parallel_loop3A_199] in [0] : vector<16xf32>, vector<16xi32> -> vector<16xf32>
        %parallel_loop3A_201 = arith.addf %parallel_loop3A_194, %parallel_loop3A_200 : vector<16xf32>
        %parallel_loop3A_202 = arith.constant 8 : i32
        %parallel_loop3A_203 = vector.broadcast %parallel_loop3A_202 : i32 to vector<16xi32>
        %parallel_loop3A_204 = arith.xori %iota3A, %parallel_loop3A_203 : vector<16xi32>
        %parallel_loop3A_205 = vector.shape_cast %parallel_loop3A_204 : vector<16xi32> to vector<16x1xi32>
        %parallel_loop3A_206 = vector.shape_cast %parallel_loop3A_205 : vector<16x1xi32> to vector<16xi32>
        %parallel_loop3A_207 = tpu.dynamic_gather %parallel_loop3A_201[%parallel_loop3A_206] in [0] : vector<16xf32>, vector<16xi32> -> vector<16xf32>
        %parallel_loop3A_208 = arith.addf %parallel_loop3A_201, %parallel_loop3A_207 : vector<16xf32>
        %parallel_loop3A_209 = arith.constant 9.765625E-4 : f32
        %parallel_loop3A_210 = vector.broadcast %parallel_loop3A_209 : f32 to vector<16xf32>
        %parallel_loop3A_211 = arith.mulf %parallel_loop3A_208, %parallel_loop3A_210 : vector<16xf32>
        %parallel_loop3A_212 = arith.mulf %parallel_loop3A_180, %parallel_loop3A_180 : vector<16xf32>
        %parallel_loop3A_213 = arith.subf %parallel_loop3A_211, %parallel_loop3A_212 : vector<16xf32>
        %parallel_loop3A_214 = arith.constant 9.99999974E-6 : f32
        %parallel_loop3A_215 = vector.broadcast %parallel_loop3A_214 : f32 to vector<16xf32>
        %parallel_loop3A_216 = arith.addf %parallel_loop3A_213, %parallel_loop3A_215 : vector<16xf32>
        %parallel_loop3A_217 = tpu.bitcast %parallel_loop3A_216 : vector<16xf32> -> vector<16xi32>
        %parallel_loop3A_218 = arith.constant 1 : i32
        %parallel_loop3A_219 = vector.broadcast %parallel_loop3A_218 : i32 to vector<16xi32>
        %parallel_loop3A_220 = arith.shrsi %parallel_loop3A_217, %parallel_loop3A_219 : vector<16xi32>
        %parallel_loop3A_221 = arith.constant 1597463007 : i32
        %parallel_loop3A_222 = vector.broadcast %parallel_loop3A_221 : i32 to vector<16xi32>
        %parallel_loop3A_223 = arith.subi %parallel_loop3A_222, %parallel_loop3A_220 : vector<16xi32>
        %parallel_loop3A_224 = tpu.bitcast %parallel_loop3A_223 : vector<16xi32> -> vector<16xf32>
        %parallel_loop3A_225 = arith.constant 5.000000e-01 : f32
        %parallel_loop3A_226 = vector.broadcast %parallel_loop3A_225 : f32 to vector<16xf32>
        %parallel_loop3A_227 = arith.mulf %parallel_loop3A_216, %parallel_loop3A_226 : vector<16xf32>
        %parallel_loop3A_228 = arith.mulf %parallel_loop3A_227, %parallel_loop3A_224 : vector<16xf32>
        %parallel_loop3A_229 = arith.mulf %parallel_loop3A_228, %parallel_loop3A_224 : vector<16xf32>
        %parallel_loop3A_230 = arith.constant 1.500000e+00 : f32
        %parallel_loop3A_231 = vector.broadcast %parallel_loop3A_230 : f32 to vector<16xf32>
        %parallel_loop3A_232 = arith.subf %parallel_loop3A_231, %parallel_loop3A_229 : vector<16xf32>
        %parallel_loop3A_233 = arith.mulf %parallel_loop3A_224, %parallel_loop3A_232 : vector<16xf32>
        %parallel_loop3A_234 = arith.mulf %parallel_loop3A_227, %parallel_loop3A_233 : vector<16xf32>
        %parallel_loop3A_235 = arith.mulf %parallel_loop3A_234, %parallel_loop3A_233 : vector<16xf32>
        %parallel_loop3A_236 = arith.constant 1.500000e+00 : f32
        %parallel_loop3A_237 = vector.broadcast %parallel_loop3A_236 : f32 to vector<16xf32>
        %parallel_loop3A_238 = arith.subf %parallel_loop3A_237, %parallel_loop3A_235 : vector<16xf32>
        %parallel_loop3A_239 = arith.mulf %parallel_loop3A_233, %parallel_loop3A_238 : vector<16xf32>
        %parallel_loop3A_240 = arith.mulf %parallel_loop3A_227, %parallel_loop3A_239 : vector<16xf32>
        %parallel_loop3A_241 = arith.mulf %parallel_loop3A_240, %parallel_loop3A_239 : vector<16xf32>
        %parallel_loop3A_242 = arith.constant 1.500000e+00 : f32
        %parallel_loop3A_243 = vector.broadcast %parallel_loop3A_242 : f32 to vector<16xf32>
        %parallel_loop3A_244 = arith.subf %parallel_loop3A_243, %parallel_loop3A_241 : vector<16xf32>
        %parallel_loop3A_245 = arith.mulf %parallel_loop3A_239, %parallel_loop3A_244 : vector<16xf32>
        %parallel_loop3A_246 = arith.mulf %parallel_loop3A_180, %parallel_loop3A_245 : vector<16xf32>
        %parallel_loop3A_247 = arith.constant 0 : i32
        %parallel_loop3A_248 = arith.constant 64 : i32
        %parallel_loop3A_249 = arith.constant 1 : i32
        scf.for %parallel_loop3A_250 = %parallel_loop3A_247 to %parallel_loop3A_248 step %parallel_loop3A_249  : i32 {
          %parallel_loop3A_251 = arith.constant 16 : i32
          %parallel_loop3A_252 = arith.muli %parallel_loop3A_250, %parallel_loop3A_251 : i32
          %parallel_loop3A_253 = arith.index_cast %and3A_88 : i32 to index
          %parallel_loop3A_254 = arith.index_cast %parallel_loop3A_143 : i32 to index
          %parallel_loop3A_255 = arith.index_cast %parallel_loop3A_252 : i32 to index
          %parallel_loop3A_256 = tpu.vector_load %arg8[%parallel_loop3A_253, %parallel_loop3A_254, %parallel_loop3A_255] {strides = array<i32>} : memref<2x16x1024xf32, #tpu.memory_space<vmem>>, vector<16xf32>,
          %parallel_loop3A_257 = arith.mulf %parallel_loop3A_256, %parallel_loop3A_245 : vector<16xf32>
          %parallel_loop3A_258 = arith.subf %parallel_loop3A_257, %parallel_loop3A_246 : vector<16xf32>
          %parallel_loop3A_259 = arith.index_cast %parallel_loop3A_252 : i32 to index
          %parallel_loop3A_260 = tpu.vector_load %arg10[%parallel_loop3A_259] {strides = array<i32>} : memref<1024xf32, #tpu.memory_space<vmem>>, vector<16xf32>,
          %parallel_loop3A_261 = arith.mulf %parallel_loop3A_258, %parallel_loop3A_260 : vector<16xf32>
          %parallel_loop3A_262 = arith.index_cast %parallel_loop3A_252 : i32 to index
          %parallel_loop3A_263 = tpu.vector_load %arg11[%parallel_loop3A_262] {strides = array<i32>} : memref<1024xf32, #tpu.memory_space<vmem>>, vector<16xf32>,
          %parallel_loop3A_264 = arith.addf %parallel_loop3A_261, %parallel_loop3A_263 : vector<16xf32>
          %parallel_loop3A_265 = arith.index_cast %and3A_88 : i32 to index
          %parallel_loop3A_266 = arith.index_cast %parallel_loop3A_143 : i32 to index
          %parallel_loop3A_267 = arith.index_cast %parallel_loop3A_252 : i32 to index
          %parallel_loop3A_268 = tpu.vector_load %arg8[%parallel_loop3A_265, %parallel_loop3A_266, %parallel_loop3A_267] {strides = array<i32>} : memref<2x16x1024xf32, #tpu.memory_space<vmem>>, vector<16xf32>,
          tpu.vector_store %arg8[%parallel_loop3A_265, %parallel_loop3A_266, %parallel_loop3A_267], %parallel_loop3A_264 {strides = array<i32>} : memref<2x16x1024xf32, #tpu.memory_space<vmem>>, vector<16xf32>,
        } {sc.loop_unroll_factor = 8 : i64, sc.parallel_access}
      } {sc.loop_unroll_factor = 2 : i64, sc.parallel_access}
      %and3A_114 = arith.constant 3 : i32
      %and3A_115 = arith.andi %scan3A_85, %and3A_114 : i32
      %shift_right_logical3A_116 = arith.constant 2 : i32
      %shift_right_logical3A_117 = arith.shrui %scan3A_85, %shift_right_logical3A_116 : i32
      %mul3A_118 = arith.constant 4096 : i32
      %mul3A_119 = arith.muli %and3A_115, %mul3A_118 : i32
      %add3A_120 = arith.addi %mul3A_119, %mul3A_2 : i32
      %mul3A_121 = arith.constant 16 : i32
      %mul3A_122 = arith.muli %shift_right_logical3A_117, %mul3A_121 : i32
      %add3A_123 = arith.addi %add3A_120, %mul3A_122 : i32
      %dma_start3A_124 = arith.constant 0 : i32
      %dma_start3A_125 = arith.constant 0 : i32
      %dma_start3A_126 = tpu.memref_slice %arg8[%and3A_88, %dma_start3A_124, %dma_start3A_125] : memref<2x16x1024xf32, #tpu.memory_space<vmem>> -> memref<1x16x1024xf32, #tpu.memory_space<vmem>>
      %dma_start3A_127 = tpu.memref_squeeze %dma_start3A_126 : memref<1x16x1024xf32, #tpu.memory_space<vmem>> -> memref<16x1024xf32, #tpu.memory_space<vmem>>
      %dma_start3A_128 = arith.constant 0 : i32
      %dma_start3A_129 = tpu.memref_slice %arg6[%add3A_123, %dma_start3A_128] : memref<16384x1024xf32, #tpu.memory_space<hbm>> -> memref<16x1024xf32, #tpu.memory_space<hbm>>
      %dma_start3A_130 = arith.constant 0 : i32
      %dma_start3A_131 = tpu.memref_slice %arg6[%add3A_123, %dma_start3A_130] : memref<16384x1024xf32, #tpu.memory_space<hbm>> -> memref<16x1024xf32, #tpu.memory_space<hbm>>
      %dma_start3A_132 = arith.constant 0 : i32
      %dma_start3A_133 = arith.constant 0 : i32
      %dma_start3A_134 = tpu.memref_slice %arg8[%and3A_88, %dma_start3A_132, %dma_start3A_133] : memref<2x16x1024xf32, #tpu.memory_space<vmem>> -> memref<1x16x1024xf32, #tpu.memory_space<vmem>>
      %dma_start3A_135 = tpu.memref_squeeze %dma_start3A_134 : memref<1x16x1024xf32, #tpu.memory_space<vmem>> -> memref<16x1024xf32, #tpu.memory_space<vmem>>
      tpu.enqueue_dma source(%dma_start3A_135 : memref<16x1024xf32, #tpu.memory_space<vmem>>) target(%dma_start3A_131 : memref<16x1024xf32, #tpu.memory_space<hbm>>) target_semaphore(%arg14 : memref<!tpu.dma_semaphore, #tpu.memory_space<semaphore_mem>>)
      %add3A_136 = arith.constant 2 : i32
      %add3A_137 = arith.addi %scan3A_85, %add3A_136 : i32
      %lt3A = arith.constant 32 : i32
      %lt3A_138 = arith.cmpi slt, %add3A_137, %lt3A : i32
      %convert_element_type3A_139 = arith.extui %lt3A_138 : i1 to i32
      %cond3A_140 = arith.constant 0 : i32
      %cond3A_141 = arith.cmpi ne, %convert_element_type3A_139, %cond3A_140 : i32
      scf.if %cond3A_141 {
        %add3A_143 = arith.constant 2 : i32
        %add3A_144 = arith.addi %scan3A_85, %add3A_143 : i32
        %and3A_145 = arith.constant 3 : i32
        %and3A_146 = arith.andi %add3A_144, %and3A_145 : i32
        %shift_right_logical3A_147 = arith.constant 2 : i32
        %shift_right_logical3A_148 = arith.shrui %add3A_144, %shift_right_logical3A_147 : i32
        %mul3A_149 = arith.constant 4096 : i32
        %mul3A_150 = arith.muli %and3A_146, %mul3A_149 : i32
        %add3A_151 = arith.addi %mul3A_150, %mul3A_2 : i32
        %mul3A_152 = arith.constant 16 : i32
        %mul3A_153 = arith.muli %shift_right_logical3A_148, %mul3A_152 : i32
        %add3A_154 = arith.addi %add3A_151, %mul3A_153 : i32
        %dma_start3A_155 = arith.constant 0 : i32
        %dma_start3A_156 = arith.constant 0 : i32
        %dma_start3A_157 = tpu.memref_slice %arg7[%and3A_88, %dma_start3A_155, %dma_start3A_156] : memref<2x16x1024xf32, #tpu.memory_space<vmem>> -> memref<1x16x1024xf32, #tpu.memory_space<vmem>>
        %dma_start3A_158 = tpu.memref_squeeze %dma_start3A_157 : memref<1x16x1024xf32, #tpu.memory_space<vmem>> -> memref<16x1024xf32, #tpu.memory_space<vmem>>
        %dma_start3A_159 = arith.constant 0 : i32
        %dma_start3A_160 = tpu.memref_slice %arg2[%add3A_154, %dma_start3A_159] : memref<16384x1024xf32, #tpu.memory_space<hbm>> -> memref<16x1024xf32, #tpu.memory_space<hbm>>
        %dma_start3A_161 = arith.constant 0 : i32
        %dma_start3A_162 = arith.constant 0 : i32
        %dma_start3A_163 = tpu.memref_slice %arg7[%and3A_88, %dma_start3A_161, %dma_start3A_162] : memref<2x16x1024xf32, #tpu.memory_space<vmem>> -> memref<1x16x1024xf32, #tpu.memory_space<vmem>>
        %dma_start3A_164 = tpu.memref_squeeze %dma_start3A_163 : memref<1x16x1024xf32, #tpu.memory_space<vmem>> -> memref<16x1024xf32, #tpu.memory_space<vmem>>
        %dma_start3A_165 = arith.constant 0 : i32
        %dma_start3A_166 = tpu.memref_slice %arg2[%add3A_154, %dma_start3A_165] : memref<16384x1024xf32, #tpu.memory_space<hbm>> -> memref<16x1024xf32, #tpu.memory_space<hbm>>
        tpu.enqueue_dma source(%dma_start3A_166 : memref<16x1024xf32, #tpu.memory_space<hbm>>) target(%dma_start3A_164 : memref<16x1024xf32, #tpu.memory_space<vmem>>) target_semaphore(%arg13 : memref<!tpu.dma_semaphore, #tpu.memory_space<semaphore_mem>>)
      } else {
      }
      %scan3A_142 = arith.constant 0 : i32
      scf.yield %scan3A_142 : i32
    }
    %scan3A_55 = arith.constant 32 : i32
    %dma_wait3A = arith.constant 0 : i32
    %dma_wait3A_56 = arith.constant 0 : i32
    %dma_wait3A_57 = arith.constant 0 : i32
    %dma_wait3A_58 = tpu.memref_slice %arg7[%dma_wait3A, %dma_wait3A_56, %dma_wait3A_57] : memref<2x16x1024xf32, #tpu.memory_space<vmem>> -> memref<1x16x1024xf32, #tpu.memory_space<vmem>>
    %dma_wait3A_59 = tpu.memref_squeeze %dma_wait3A_58 : memref<1x16x1024xf32, #tpu.memory_space<vmem>> -> memref<16x1024xf32, #tpu.memory_space<vmem>>
    %dma_wait3A_60 = arith.constant 0 : i32
    %dma_wait3A_61 = arith.constant 0 : i32
    %dma_wait3A_62 = tpu.memref_slice %arg2[%dma_wait3A_60, %dma_wait3A_61] : memref<16384x1024xf32, #tpu.memory_space<hbm>> -> memref<16x1024xf32, #tpu.memory_space<hbm>>
    %dma_wait3A_63 = arith.constant 0 : i32
    %dma_wait3A_64 = arith.constant 0 : i32
    %dma_wait3A_65 = tpu.memref_slice %arg7[%dma_wait3A, %dma_wait3A_63, %dma_wait3A_64] : memref<2x16x1024xf32, #tpu.memory_space<vmem>> -> memref<1x16x1024xf32, #tpu.memory_space<vmem>>
    %dma_wait3A_66 = tpu.memref_squeeze %dma_wait3A_65 : memref<1x16x1024xf32, #tpu.memory_space<vmem>> -> memref<16x1024xf32, #tpu.memory_space<vmem>>
    %dma_wait3A_67 = arith.constant 0 : i32
    %dma_wait3A_68 = arith.constant 0 : i32
    %dma_wait3A_69 = tpu.memref_slice %arg2[%dma_wait3A_67, %dma_wait3A_68] : memref<16384x1024xf32, #tpu.memory_space<hbm>> -> memref<16x1024xf32, #tpu.memory_space<hbm>>
    tpu.wait_dma2 semaphore(%arg14 : memref<!tpu.dma_semaphore, #tpu.memory_space<semaphore_mem>>) src(%dma_wait3A_69 : memref<16x1024xf32, #tpu.memory_space<hbm>>) dst(%dma_wait3A_66 : memref<16x1024xf32, #tpu.memory_space<vmem>>)
    %dma_wait3A_70 = arith.constant 0 : i32
    %dma_wait3A_71 = arith.constant 0 : i32
    %dma_wait3A_72 = arith.constant 0 : i32
    %dma_wait3A_73 = tpu.memref_slice %arg7[%dma_wait3A_70, %dma_wait3A_71, %dma_wait3A_72] : memref<2x16x1024xf32, #tpu.memory_space<vmem>> -> memref<1x16x1024xf32, #tpu.memory_space<vmem>>
    %dma_wait3A_74 = tpu.memref_squeeze %dma_wait3A_73 : memref<1x16x1024xf32, #tpu.memory_space<vmem>> -> memref<16x1024xf32, #tpu.memory_space<vmem>>
    %dma_wait3A_75 = arith.constant 0 : i32
    %dma_wait3A_76 = arith.constant 0 : i32
    %dma_wait3A_77 = tpu.memref_slice %arg2[%dma_wait3A_75, %dma_wait3A_76] : memref<16384x1024xf32, #tpu.memory_space<hbm>> -> memref<16x1024xf32, #tpu.memory_space<hbm>>
    %dma_wait3A_78 = arith.constant 0 : i32
    %dma_wait3A_79 = arith.constant 0 : i32
    %dma_wait3A_80 = tpu.memref_slice %arg7[%dma_wait3A_70, %dma_wait3A_78, %dma_wait3A_79] : memref<2x16x1024xf32, #tpu.memory_space<vmem>> -> memref<1x16x1024xf32, #tpu.memory_space<vmem>>
    %dma_wait3A_81 = tpu.memref_squeeze %dma_wait3A_80 : memref<1x16x1024xf32, #tpu.memory_space<vmem>> -> memref<16x1024xf32, #tpu.memory_space<vmem>>
    %dma_wait3A_82 = arith.constant 0 : i32
    %dma_wait3A_83 = arith.constant 0 : i32
    %dma_wait3A_84 = tpu.memref_slice %arg2[%dma_wait3A_82, %dma_wait3A_83] : memref<16384x1024xf32, #tpu.memory_space<hbm>> -> memref<16x1024xf32, #tpu.memory_space<hbm>>
    tpu.wait_dma2 semaphore(%arg14 : memref<!tpu.dma_semaphore, #tpu.memory_space<semaphore_mem>>) src(%dma_wait3A_84 : memref<16x1024xf32, #tpu.memory_space<hbm>>) dst(%dma_wait3A_81 : memref<16x1024xf32, #tpu.memory_space<vmem>>)
    return
  }
}

</mosaic_0001>

<sc_bundles>
// kernel: kernel.3.cloned.1.call-start
scs
__scs_entry_jumppad:
0x0: {  	(pc) =	sbr.rel $0x88, $3  }
0x1: {  	(tag) =	ssettag $0x0;
	lr =	simm.s32 $0x1  }
0x2: {  	[smem:$0x3F9D] =	sst lr;
	_ =	strace $0xD0000000  }
0x3: {  	_ = 	snop  }
0x4: {  	_ = 	snop  }
0x5: {  	_ = 	snop  }
0x6: {  	_ = 	snop  }
0x7: {  	_ = 	snop  }
__scs_overlays_trampoline_lowered:
0x8: {  	[smem:$0x3FAC] =	sst s0  }
0x9: {  	[smem:$0x3FAD] =	sst s1  }
0xa: {  	[smem:$0x3FAE] =	sst s2  }
0xb: {  	[smem:$0x3FAF] =	sst s3  }
0xc: {  	[smem:$0x3FB0] =	sst s4  }
0xd: {  	[smem:$0x3FB1] =	sst s5  }
0xe: {  	[smem:$0x3FB2] =	sst s6  }
0xf: {  	[smem:$0x3FB3] =	sst s7  }
0x10: {  	[smem:$0x3FB4] =	sst s8  }
0x11: {  	[smem:$0x3FB5] =	sst s9;
	s0 =	simm.s32 @!p0 $0x0  }
0x12: {  	s1 =	sld [smem:$0x3F9B];
	s0 =	simm.s32 @p0 $0x1  }
0x13: {  	[smem:$0x3FB6] =	sst s0;
	s0 =	simm.s32 @!p1 $0x0  }
0x14: {  	s2 =	sld [smem:$0x3F9A];
	s0 =	simm.s32 @p1 $0x1  }
0x15: {  	[smem:$0x3FB7] =	sst s0;
	s0 =	simm.s32 @!p2 $0x0  }
0x16: {  	s3 =	sld [smem:$0x3FDB];
	s0 =	simm.s32 @p2 $0x1  }
0x17: {  	s4 =	simm.s32 $0x1BF5;
	[smem:$0x3FB9] =	sst s0  }
0x18: {  	s0 =	sld [smem:$0x3F9C];
	_ =	swait.ge [sflag:s4], $0x0  }
0x19: {  	s7 =	sld [smem:$0x3F9D]  }
0x1a: {  	s8 =	sadd.s32 $0xFFFFE003, lr  }
0x1b: {  	s9 =	sadd.s32 $0xFFFFFEF7, lr;
	s5 =	simm.s32 $0xFFFFFFFF;
	p2 =	slt.u32 s8, $0xFFFFF086  }
0x1c: {  	p1 =	slt.u32 s9, $0xF7A;
	s5 =	simm.s32 @!p2 $0x0  }
0x1d: {  	s5 =	simm.s32 @p1 $0x1;
	p0 =	seq.s32 s7, s2  }
0x1e: {  	s7 =	smul.u32 @!p0 $0xF7A, s2;
	p2 =	seq.s32 @!p0 s5, $0x0  }
0x1f: {  	s9 =	smul.u32 $0xF7A, s1;
	s8 =	simm.s32 @!p0 $0x1BF5;
	p2 =	por !p2, p0  }
0x20: {  	[sflag:s8] =	ssyncset.s32 @!p0 $0xFFFFF086;
	s6 =	sadd.s32 @!p0 s3, s7;
	s7 =	simm.s32 @!p0 $0x108  }
0x21: {  	s3 =	sadd.s32 s3, s9;
	s6 =	sadd.s32 @!p0 $0x88, s6;
	s7 =	simm.s32 @p2 $0x1082  }
0x22: {  	[simem:s7], [sflag:s8] =	dma.local @!p0 [hbm:s6], $0xF7A  }
0x23: {  	s9 =	sor.u32 $0xD0000000, s2;
	s6 =	simm.s32 $0x108;
	_ =	swait.ge @!p0 [sflag:s8], $0x0  }
0x24: {  	s3 =	sadd.s32 $0x88, s3;
	s6 =	simm.s32 @!p1 $0x1082;
	[sflag:s4] =	ssyncset.s32 $0xFFFFF086  }
0x25: {  	[simem:s6], [sflag:s4] =	dma.local [hbm:s3], $0xF7A  }
0x26: {  	[smem:$0x3F9D] =	sst s1;
	(tag) =	ssettag s2;
	_ =	strace s9  }
0x27: {  	s1 =	sld [smem:$0x3FAD]  }
0x28: {  	s2 =	sld [smem:$0x3FAE]  }
0x29: {  	s4 =	sld [smem:$0x3FB0]  }
0x2a: {  	p0 =	seq.s32 s5, $0x0;
	s5 =	sld [smem:$0x3FB1]  }
0x2b: {  	s6 =	sld [smem:$0x3FB2]  }
0x2c: {  	s7 =	sld [smem:$0x3FB3]  }
0x2d: {  	s3 =	simm.s32 $0x108;
	s8 =	sld [smem:$0x3FB4]  }
0x2e: {  	s3 =	simm.s32 @!p0 $0x1082;
	s9 =	sld [smem:$0x3FB5]  }
0x2f: {  	lr =	sadd.s32 s0, s3;
	s0 =	sld [smem:$0x3FAC]  }
0x30: {  	s3 =	sld [smem:$0x3FAF]  }
0x31: {  	[smem:$0x3FB8] =	sst s10  }
0x32: {  	s10 =	sld [smem:$0x3FB6];
	_ =	sdelay $0x3  }
0x33: {  	p0 =	seq.s32 s10, $0x1;
	s10 =	sld [smem:$0x3FB8];
	_ =	sdelay $0x3  }
0x34: {  	[smem:$0x3FB8] =	sst s10  }
0x35: {  	s10 =	sld [smem:$0x3FB7];
	_ =	sdelay $0x3  }
0x36: {  	p1 =	seq.s32 s10, $0x1;
	s10 =	sld [smem:$0x3FB8];
	_ =	sdelay $0x3  }
0x37: {  	[smem:$0x3FB8] =	sst s10  }
0x38: {  	s10 =	sld [smem:$0x3FB9]  }
0x39: {  	_ = 	snop;
	(pc) =	sbr.ind lr, $3  }
0x3a: {  	_ = 	snop  }
0x3b: {  	_ = 	snop  }
0x3c: {  	p2 =	seq.s32 s10, $0x1;
	s10 =	sld [smem:$0x3FB8]  }
0x3d: {  	_ =	shalt  }
0x3e: {  	_ =	shalt  }
0x3f: {  	_ =	shalt  }
0x40: {  	_ =	shalt  }
0x41: {  	_ =	shalt  }
0x42: {  	_ =	shalt  }
0x43: {  	_ =	shalt  }
0x44: {  	_ =	shalt  }
0x45: {  	_ =	shalt  }
0x46: {  	_ =	shalt  }
0x47: {  	_ =	shalt  }
0x48: {  	_ =	shalt  }
0x49: {  	_ =	shalt  }
0x4a: {  	_ =	shalt  }
0x4b: {  	_ =	shalt  }
0x4c: {  	_ =	shalt  }
0x4d: {  	_ =	shalt  }
0x4e: {  	_ =	shalt  }
0x4f: {  	_ =	shalt  }
0x50: {  	_ =	shalt  }
0x51: {  	_ =	shalt  }
0x52: {  	_ =	shalt  }
0x53: {  	_ =	shalt  }
0x54: {  	_ =	shalt  }
0x55: {  	_ =	shalt  }
0x56: {  	_ =	shalt  }
0x57: {  	_ =	shalt  }
0x58: {  	_ =	shalt  }
0x59: {  	_ =	shalt  }
0x5a: {  	_ =	shalt  }
0x5b: {  	_ =	shalt  }
0x5c: {  	_ =	shalt  }
0x5d: {  	_ =	shalt  }
0x5e: {  	_ =	shalt  }
0x5f: {  	_ =	shalt  }
0x60: {  	_ =	shalt  }
0x61: {  	_ =	shalt  }
0x62: {  	_ =	shalt  }
0x63: {  	_ =	shalt  }
0x64: {  	_ =	shalt  }
0x65: {  	_ =	shalt  }
0x66: {  	_ =	shalt  }
0x67: {  	_ =	shalt  }
0x68: {  	_ =	shalt  }
0x69: {  	_ =	shalt  }
0x6a: {  	_ =	shalt  }
0x6b: {  	_ =	shalt  }
0x6c: {  	_ =	shalt  }
0x6d: {  	_ =	shalt  }
0x6e: {  	_ =	shalt  }
0x6f: {  	_ =	shalt  }
0x70: {  	_ =	shalt  }
0x71: {  	_ =	shalt  }
0x72: {  	_ =	shalt  }
0x73: {  	_ =	shalt  }
0x74: {  	_ =	shalt  }
0x75: {  	_ =	shalt  }
0x76: {  	_ =	shalt  }
0x77: {  	_ =	shalt  }
0x78: {  	_ =	shalt  }
0x79: {  	_ =	shalt  }
0x7a: {  	_ =	shalt  }
0x7b: {  	_ =	shalt  }
0x7c: {  	_ =	shalt  }
0x7d: {  	_ =	shalt  }
0x7e: {  	_ =	shalt  }
0x7f: {  	_ =	shalt  }
0x80: {  	_ =	shalt  }
0x81: {  	_ =	shalt  }
0x82: {  	_ =	shalt  }
0x83: {  	_ =	shalt  }
0x84: {  	_ =	shalt  }
0x85: {  	_ =	shalt  }
0x86: {  	_ =	shalt  }
0x87: {  	_ =	shalt  }
.Lfunc_end0:
.L_simem_size_0:
called_computation_lowered:
.L_overlay_start_0:
0x88: {  	s2 =	sld [smem:$0x3FD9]  }
0x89: {  	s3 =	sld [smem:$0x3FFE];
	_ =	sdelay $0x1  }
0x8a: {  	s1 =	srdreg.scid  }
0x8b: {  	s0 =	sand.u32 $0x1, s1  }
0x8c: {  	s18 =	sshll.u32 s0, $0xA;
	s2 =	sadd.s32 s3, s2  }
0x8d: {  	s2 =	sadd.s32 s2, s18  }
0x8e: {  	[smem:$0x3FC4] =	sst s2  }
0x8f: {  	_ = 	snop  }
0x90: {  	s2 =	sld [smem:$0x3FC9]  }
0x91: {  	s19 =	sld [smem:$0x3FC8]  }
0x92: {  	s4 =	sld [smem:$0x3FC7]  }
0x93: {  	s5 =	sld [smem:$0x3FC6]  }
0x94: {  	s6 =	sld [smem:$0x3FD0];
	(tm) =	ssettm $0x1  }
0x95: {  	s7 =	sld [smem:$0x3FFB];
	_ =	sdelay $0x3  }
0x96: {  	_ =	strace s7  }
0x97: {  	s7 =	sld [smem:$0x3FFC];
	_ =	sdelay $0x3  }
0x98: {  	_ =	strace s7  }
0x99: {  	s7 =	sld [smem:$0x3FFD];
	_ =	sdelay $0x3  }
0x9a: {  	_ =	strace s7  }
0x9b: {  	_ =	strace $0x8FFFFFFF  }
0x9c: {  	s20 =	sld [smem:$0x3FDB];
	_ =	sdelay $0x1  }
0x9d: {  	s8 =	simm.s32 $_scs_section_size  }
0x9e: {  	s9 =	simm.s32 $_size__tile_overlayer_lowered;
	s10 =	simm.s32 $_tile_overlayer_lowered  }
0x9f: {  	s23 =	simm.s32 $0x1BFF;
	s22 =	sshll.u32 s10, $0x1;
	s7 =	sadd.s32 s8, s20  }
0xa0: {  	s11 =	simm.s32 $0x0;
	s21 =	sshll.u32 s9, $0x1;
	s9 =	sadd.s32 s22, s7  }
0xa1: {  	[timem:s11], [sflag:s23] =	dma.local [hbm:s9], s21  }
0xa2: {  	_ =	swait.ge [sflag:s23], s21  }
0xa3: {  	s8 =	ssub.s32 $0x0, s21;
	[sflag:s23] =	ssyncset.done $0x0  }
0xa4: {  	[sflag:s23] =	ssyncadd.s32 s8;
	_ =	sdelay $0x1  }
0xa5: {  	s24 =	simm.s32 $0x1B8B  }
0xa6: {  	_ =	swait.ge [sflag:s24], $0x1  }
0xa7: {  	[sflag:s24] =	ssyncset.done $0x0  }
0xa8: {  	s25 =	simm.s32 $0x1B8E;
	[sflag:s24] =	ssyncadd.s32 $0xFFFFFFFF  }
0xa9: {  	s26 =	simm.s32 $execute0_lowered;
	[smem:$0x3FD2] =	sst s25  }
0xaa: {  	s8 =	sshll.u32 s26, $0x1;
	_ =	strace $0x80000046;
	[dreg:$0x1] =	wrdreg $0xFFFFFFFF  }
0xab: {  	s28 =	simm.s32 $_size_execute0_lowered;
	s7 =	sadd.s32 s7, s8;
	[dreg:$0x0] =	wrdreg $0x0  }
0xac: {  	s8 =	sshll.u32 s28, $0x1;
	[dreg:$0x2] =	wrdreg s7  }
0xad: {  	[dreg:$0x3] =	wrdreg s8  }
0xae: {  	[dreg:$0x4] =	wrdreg $0xC0  }
0xaf: {  	_ =	task [dreg:s11], $0x5FFFF  }
0xb0: {  	[dreg:$0x1] =	wrdreg $0xFFFFFFFF  }
0xb1: {  	[dreg:$0x0] =	wrdreg $0x60  }
0xb2: {  	[dreg:$0x2] =	wrdreg s2  }
0xb3: {  	[dreg:$0x3] =	wrdreg s19  }
0xb4: {  	[dreg:$0x4] =	wrdreg s4  }
0xb5: {  	[dreg:$0x5] =	wrdreg s5  }
0xb6: {  	[dreg:$0x6] =	wrdreg s6  }
0xb7: {  	[dreg:$0x7] =	wrdreg $0x9  }
0xb8: {  	_ =	task.clear_ibuf [dreg:s11], $0x8FFFF;
	_ =	strace $0x90000046  }
0xb9: {  	s29 =	simm.s32 $0x9;
	_ =	strace $0x80000048  }
0xba: {  	_ =	swait.ge [sflag:s29], $0x1  }
0xbb: {  	[sflag:s29] =	ssyncadd.s32 $0xFFFFFFFF  }
0xbc: {  	_ =	strace $0x90000048  }
0xbd: {  	_ =	sfence  }
0xbe: {  	s30 =	sld [smem:$0x0];
	_ =	sdelay $0x2  }
0xbf: {  	s31 =	sshll.u32 s1, $0xD;
	s1 =	sshrl.u32 s1, $0x2  }
0xc0: {  	s3 =	sand.u32 $0x4000, s31;
	s1 =	sadd.s32 s1, s30  }
0xc1: {  	s0 =	sor.u32 s3, s0;
	s1 =	sshll.u32 s1, $0x11  }
0xc2: {  	s0 =	sor.u32 s1, s0  }
0xc3: {  	s0 =	sadd.s32 $0x8F2B, s0  }
0xc4: {  	[sflag:s0] =	ssyncadd.remote.s32 $0x1  }
0xc5: {  	_ =	sfence.sel $0xFFFF  }
0xc6: {  	[dreg:$0x0] =	wrdreg $0xFFFFFFFF;
	(pc) =	sbr.abs _section_cstart, $3  }
0xc7: {  	[dreg:$0x1] =	wrdreg $0xFFFFFFFF  }
0xc8: {  	_ =	task.clear_ibuf [dreg:s11], $0x2FFFF;
	_ =	strace $0x9FFFFFFF  }
0xc9: {  	(tm) =	ssettm $0x7FFFFFFF  }
tec
execute0_lowered:
.L_overlay_start_1:
0x0: {  	(tag) =	ssettag $0x1  }
0x1: {  	v0 =	vimm.s32 $0xEFCDAB89  }
0x2: {  	v1 =	vimm.s32 $0x67452301;
	v2 =	vimm.s32 $0xDCFE98BA;
	v3 =	vimm.s32 $0x54761032  }
0x3: {  	s0 =	rddreg [dreg:$0x0];
	v4 =	vimm.s32 $0xBA98FEDC;
	v5 =	vimm.s32 $0x32107654;
	v6 =	vimm.s32 $0xFEDCBA98  }
0x4: {  	s1 =	rddreg [dreg:$0x1];
	v7 =	vimm.s32 $0x76543210;
	v0 =	vunpack.c.l.s4.s8 v0;
	v1 =	vunpack.c.l.s4.s8 v1  }
0x5: {  	s2 =	srdreg.scid;
	s3 =	stileid.u32;
	v2 =	vunpack.c.l.s4.s8 v2;
	v3 =	vunpack.c.l.s4.s8 v3;
	v4 =	vunpack.c.l.s4.s8 v4  }
0x6: {  	s5 =	rddreg [dreg:$0x4];
	s7 =	simm.s32 $0x0;
	s13 =	simm.s32 $0x3;
	v5 =	vunpack.c.l.s4.s8 v5;
	v6 =	vunpack.c.l.s4.s8 v6;
	v7 =	vunpack.c.l.s4.s8 v7  }
0x7: {  	s15 =	simm.s32 $0x4000;
	s16 =	simm.s32 $0x1;
	s2 =	sand.u32 $0x1, s2;
	v0 =	vunpack.c.0.s8.s32 v0;
	v1 =	vunpack.c.0.s8.s32 v1;
	v2 =	vunpack.c.0.s8.s32 v2  }
0x8: {  	s17 =	simm.s32 $0x2;
	s3 =	sshll.u32 s3, $0x8;
	s4 =	sshll.u32 s2, $0x7;
	v3 =	vunpack.c.0.s8.s32 v3;
	v4 =	vunpack.c.0.s8.s32 v4;
	v5 =	vunpack.c.0.s8.s32 v5  }
0x9: {  	s18 =	simm.s32 $0x0;
	s2 =	ssub.s32 $0x2, s2;
	s6 =	sor.u32 s4, s3;
	v0 =	vcombine.low v1, v0;
	v1 =	vunpack.c.0.s8.s32 v6  }
0xa: {  	[smem:$0x7FF] =	sst s7;
	s31 =	sshrl.u32 s2, $0x1;
	s3 =	sshll.u32 s6, $0x7;
	v2 =	vcombine.low v3, v2;
	v3 =	vcombine.low v5, v4;
	v4 =	vunpack.c.0.s8.s32 v7  }
0xb: {  	_ =	strace $0x80000047;
	s2 =	ssub.s32 s2, s31;
	s8 =	sadd.s32 s0, s3;
	v0 =	vand.u32 $0xF, v0;
	v5 =	vand.u32 $0xF, v1  }
0xc: {  	s10 =	sadd.s32 s1, s3;
	s11 =	smax.u32 s2, $0x1;
	s9 =	sadd.s32 $0x80000, s8;
	v1 =	vand.u32 $0xF, v2;
	v2 =	vand.u32 $0xF, v3;
	v3 =	vcombine.low v5, v4  }
.LBB2_1:
0xd: {  	s1 =	rddreg [dreg:$0x2];
	s2 =	simm.s32 $0x14000  }
0xe: {  	[tilespmem:s2], [sflag:$0x3] =	stream.linear.gather [hbm4b:s1+s7], $0x400, $0x38;
	[tilespmem:$0x14800] =	vst v63  }
0xf: {  	_ =	swait.ge [sflag:s13], $0x400  }
0x10: {  	[sflag:s13] =	ssyncset.done $0x0  }
0x11: {  	[sflag:s13] =	ssyncadd.s32 $0xFFFFFC00  }
0x12: {  	s31 =	simm.s32 $0x14400;
	s30 =	rddreg [dreg:$0x3]  }
0x13: {  	[tilespmem:s31], [sflag:$0x3] =	stream.linear.gather [hbm4b:s30+s7], $0x400, $0x38;
	[tilespmem:$0x14800] =	vst v63  }
0x14: {  	_ =	swait.ge [sflag:s13], $0x400  }
0x15: {  	[sflag:s13] =	ssyncset.done $0x0  }
0x16: {  	[sflag:s13] =	ssyncadd.s32 $0xFFFFFC00  }
0x17: {  	[tilespmem:s7], [sflag:$0x1] =	stream.linear.gather [hbm4b:s8+s7], $0x4000, $0x38;
	[tilespmem:$0x14800] =	vst v63  }
0x18: {  	p0 =	por $0x0, $0x0;
	s19 =	simm.s32 $0x0  }
0x19: {  	[tilespmem:s15], [sflag:$0x1] =	stream.linear.gather [hbm4b:s9+s7], $0x4000, $0x38;
	[tilespmem:$0x14800] =	vst v63  }
.LBB2_2:
0x1a: {  	s20 =	sand.u32 $0x3, s19  }
0x1b: {  	p1 =	sne.s32 s20, $0x0  }
0x1c: {  	s1 =	sshll.u32 @!p1 s19, $0x9  }
0x1d: {  	s2 =	simm.s32 @!p1 $0x0;
	s3 =	simm.s32 @!p1 $0x10000;
	s1 =	sadd.s32 @!p1 s1, s10  }
0x1e: {  	[tilespmem:s3], [sflag:$0x3] =	stream.linear.gather @!p1 [hbm4b:s1+s2], $0x4000, $0x38;
	[tilespmem:$0x14800] =	vst v63  }
0x1f: {  	s1 =	simm.s32 @!p1 $0x3  }
0x20: {  	_ =	swait.ge @!p1 [sflag:s1], $0x4000  }
0x21: {  	s30 =	sand.u32 $0x1, s19;
	[sflag:s1] =	ssyncset.done @!p1 $0x0  }
0x22: {  	s29 =	simm.s32 $0x0;
	s28 =	simm.s32 $0x0;
	[sflag:s1] =	ssyncadd.s32 @!p1 $0xFFFFC000  }
0x23: {  	s21 =	sshll.u32 s30, $0xE;
	s1 =	simm.s32 $0x1;
	_ =	swait.ge [sflag:s16], $0x4000  }
0x24: {  	p1 =	slt.u32 s19, $0x2;
	s1 =	simm.s32 @!p0 $0x0;
	[sflag:s16] =	ssyncset.done $0x0  }
0x25: {  	s2 =	simm.s32 @!p1 $0x2;
	s26 =	sshll.u32 s1, $0x10;
	[sflag:s16] =	ssyncadd.s32 $0xFFFFC000  }
0x26: {  	s22 =	sshll.u32 s1, $0xE;
	s31 =	sshrl.u32 s26, $0x2;
	_ =	swait.ge @!p1 [sflag:s2], $0x4000  }
0x27: {  	s26 =	simm.s32 $0x0;
	s23 =	sadd.s32 $0x8040, s31;
	[sflag:s2] =	ssyncset.done @!p1 $0x0  }
0x28: {  	s24 =	sadd.s32 $0x80F0, s31;
	s25 =	sadd.s32 $0xF0, s31;
	[sflag:s2] =	ssyncadd.s32 @!p1 $0xFFFFC000  }
.LBB2_3:
0x29: {  	s1 =	sand.u32 $0x3, s26;
	s2 =	sand.u32 $0x3FFFE000, s28  }
0x2a: {  	s3 =	sshll.u32 s28, $0x2;
	s2 =	sadd.s32 s2, s22;
	s4 =	sshll.u32 s1, $0x8  }
0x2b: {  	s3 =	sand.u32 $0xFFFF8000, s3;
	s1 =	sshll.u32 s1, $0xA;
	s2 =	sadd.s32 s4, s2  }
0x2c: {  	s1 =	sor.u32 s1, s3;
	s2 =	sshll.u32 s2, $0x2  }
0x2d: {  	s1 =	sshrl.u32 s1, $0x2;
	s14 =	sshra.s32 s2, $0x2  }
0x2e: {  	s3 =	sadd.s32 $0x10040, s1;
	v4 =	vld [tilespmem:s14+$0x0]  }
0x2f: {  	v5 =	vld [tilespmem:s3+$0xFFFFFFC0]  }
0x30: {  	v6 =	vld [tilespmem:s14+$0x10]  }
0x31: {  	v7 =	vld [tilespmem:s3+$0xFFFFFFD0]  }
0x32: {  	v8 =	vld [tilespmem:s14+$0x20]  }
0x33: {  	v9 =	vld [tilespmem:s3+$0xFFFFFFE0]  }
0x34: {  	v10 =	vld [tilespmem:s14+$0x30]  }
0x35: {  	v11 =	vld [tilespmem:s3+$0xFFFFFFF0];
	v4 =	vadd.f32 v5, v4  }
0x36: {  	v12 =	vld [tilespmem:s14+$0x40]  }
0x37: {  	v13 =	vld [tilespmem:s3+$0x0];
	v7 =	vadd.f32 v7, v6;
	v6 =	vmul.f32 v4, v4  }
0x38: {  	v14 =	vimm.f32 $0.0e+00;
	v15 =	vadd.f32 v9, v8;
	v5 =	vld [tilespmem:s14+$0x50]  }
0x39: {  	s2 =	sadd.s32 $0x8000, s14;
	v8 =	vld [tilespmem:s3+$0x10];
	v16 =	vadd.f32 v4, v14;
	v17 =	vmul.f32 v7, v7;
	v14 =	vadd.f32 v6, v14  }
0x3a: {  	v9 =	vadd.f32 v11, v10;
	v10 =	vld [tilespmem:s3+$0x20];
	[tilespmem:s2+$0x0] =	vst v4  }
0x3b: {  	[tilespmem:s2+$0x10] =	vst v7;
	v63 =	vmul.f32 v15, v15;
	v6 =	vld [tilespmem:s14+$0x60];
	v11 =	vadd.f32 v7, v16;
	v14 =	vadd.f32 v17, v14  }
0x3c: {  	s12 =	simm.s32 $0x0;
	s30 =	sadd.s32 s1, s24;
	s4 =	sadd.s32 s1, s25;
	[tilespmem:s2+$0x20] =	vst v15;
	v4 =	vadd.f32 v13, v12;
	v7 =	vld [tilespmem:s14+$0x70]  }
0x3d: {  	s31 =	sadd.s32 $0x100F0, s1;
	s1 =	sadd.s32 s1, s23;
	[tilespmem:s2+$0x30] =	vst v9;
	s14 =	sadd.s32 $0x400, s14;
	v13 =	vadd.f32 v15, v11;
	v11 =	vld [tilespmem:s3+$0x30];
	v12 =	vadd.f32 v63, v14;
	v14 =	vmul.f32 v9, v9  }
.LBB2_4:
0x3e: {  	v15 =	vld [tilespmem:s14+$0x0];
	[tilespmem:s2+$0x40] =	vst v4;
	v5 =	vadd.f32 v8, v5;
	s3 =	sadd.s32 $0x400, s3  }
0x3f: {  	v8 =	vld [tilespmem:s3+$0xFFFFFFC0];
	v9 =	vadd.f32 v9, v13;
	v12 =	vadd.f32 v14, v12;
	v13 =	vmul.f32 v4, v4  }
0x40: {  	s12 =	sadd.s32 $0x8, s12;
	v14 =	vld [tilespmem:s14+$0x10];
	[tilespmem:s2+$0x50] =	vst v5;
	v6 =	vadd.f32 v10, v6  }
0x41: {  	p1 =	slt.u32 s12, $0x38;
	v10 =	vld [tilespmem:s3+$0xFFFFFFD0];
	v4 =	vadd.f32 v4, v9;
	v9 =	vadd.f32 v13, v12;
	v12 =	vmul.f32 v5, v5  }
0x42: {  	v13 =	vld [tilespmem:s14+$0x20];
	[tilespmem:s2+$0x60] =	vst v6;
	v7 =	vadd.f32 v11, v7  }
0x43: {  	v11 =	vld [tilespmem:s3+$0xFFFFFFE0];
	v4 =	vadd.f32 v5, v4;
	v5 =	vadd.f32 v12, v9;
	v9 =	vmul.f32 v6, v6  }
0x44: {  	v8 =	vadd.f32 v8, v15;
	v12 =	vld [tilespmem:s14+$0x30];
	[tilespmem:s2+$0x70] =	vst v7  }
0x45: {  	s2 =	sadd.s32 $0x400, s2;
	v15 =	vld [tilespmem:s3+$0xFFFFFFF0];
	v4 =	vadd.f32 v6, v4;
	v5 =	vadd.f32 v9, v5;
	v6 =	vmul.f32 v7, v7  }
0x46: {  	[tilespmem:s2+$0x0] =	vst v8;
	v10 =	vadd.f32 v10, v14;
	v14 =	vld [tilespmem:s14+$0x40]  }
0x47: {  	v9 =	vmul.f32 v8, v8;
	v16 =	vld [tilespmem:s3+$0x0];
	v4 =	vadd.f32 v7, v4;
	v6 =	vadd.f32 v6, v5  }
0x48: {  	[tilespmem:s2+$0x10] =	vst v10;
	v11 =	vadd.f32 v11, v13;
	v5 =	vld [tilespmem:s14+$0x50]  }
.Ltmp0:
0x49: {  	v13 =	vmul.f32 v10, v10;
	v4 =	vadd.f32 v8, v4;
	v7 =	vadd.f32 v9, v6;
	v8 =	vld [tilespmem:s3+$0x10];
	(pc) =	sbr.rel @p1 .LBB2_4-.Ltmp0, $4  }
0x4a: {  	[tilespmem:s2+$0x20] =	vst v11;
	v9 =	vadd.f32 v15, v12;
	v6 =	vld [tilespmem:s14+$0x60]  }
0x4b: {  	v17 =	vmul.f32 v11, v11;
	v12 =	vadd.f32 v10, v4;
	v15 =	vadd.f32 v13, v7;
	v10 =	vld [tilespmem:s3+$0x20]  }
0x4c: {  	[tilespmem:s2+$0x30] =	vst v9;
	v4 =	vadd.f32 v16, v14;
	v7 =	vld [tilespmem:s14+$0x70]  }
0x4d: {  	v14 =	vmul.f32 v9, v9;
	s14 =	sadd.s32 $0x400, s14;
	v13 =	vadd.f32 v11, v12;
	v12 =	vadd.f32 v17, v15;
	v11 =	vld [tilespmem:s3+$0x30]  }
0x4e: {  	_ = 	snop  }
0x4f: {  	v9 =	vadd.f32 v9, v13  }
0x50: {  	v5 =	vadd.f32 v8, v5  }
0x51: {  	v8 =	vadd.f32 v14, v12;
	v12 =	vmul.f32 v4, v4;
	v9 =	vadd.f32 v4, v9  }
0x52: {  	v6 =	vadd.f32 v10, v6  }
0x53: {  	v10 =	vmul.f32 v5, v5;
	v8 =	vadd.f32 v12, v8;
	v9 =	vadd.f32 v5, v9  }
0x54: {  	v7 =	vadd.f32 v11, v7  }
0x55: {  	v8 =	vadd.f32 v10, v8;
	v10 =	vmul.f32 v6, v6;
	v9 =	vadd.f32 v6, v9;
	_ =	sdelay $0x1  }
0x56: {  	v8 =	vadd.f32 v10, v8;
	v10 =	vmul.f32 v7, v7;
	v9 =	vadd.f32 v7, v9;
	_ =	sdelay $0x1  }
0x57: {  	v8 =	vadd.f32 v10, v8;
	v10 =	vperm.xlane v9, v0;
	_ =	sdelay $0x1  }
0x58: {  	v9 =	vadd.f32 v10, v9;
	v10 =	vperm.xlane v8, v0;
	_ =	sdelay $0x1  }
0x59: {  	v11 =	vperm.xlane v9, v1;
	v8 =	vadd.f32 v10, v8;
	_ =	sdelay $0x1  }
0x5a: {  	v9 =	vadd.f32 v11, v9;
	v10 =	vperm.xlane v8, v1;
	_ =	sdelay $0x1  }
0x5b: {  	v11 =	vperm.xlane v9, v2;
	v8 =	vadd.f32 v10, v8;
	_ =	sdelay $0x1  }
0x5c: {  	v9 =	vadd.f32 v11, v9;
	v10 =	vperm.xlane v8, v2;
	_ =	sdelay $0x1  }
0x5d: {  	v11 =	vperm.xlane v9, v3;
	v8 =	vadd.f32 v10, v8;
	_ =	sdelay $0x1  }
0x5e: {  	v9 =	vadd.f32 v11, v9;
	v10 =	vperm.xlane v8, v3;
	_ =	sdelay $0x1  }
0x5f: {  	v9 =	vmul.f32 $9.765625000e-04, v9;
	v8 =	vadd.f32 v10, v8;
	_ =	sdelay $0x1  }
0x60: {  	v8 =	vmul.f32 $9.765625000e-04, v8;
	v10 =	vmul.f32 v9, v9;
	_ =	sdelay $0x1  }
0x61: {  	v8 =	vsub.f32 v8, v10;
	_ =	sdelay $0x1  }
0x62: {  	v8 =	vadd.f32 $9.999999740e-06, v8;
	_ =	sdelay $0x1  }
0x63: {  	v10 =	vshra.s32 v8, $0x1;
	v8 =	vmul.f32 $5.000000000e-01, v8  }
0x64: {  	v10 =	vsub.s32 $0x5F3759DF, v10  }
0x65: {  	v11 =	vmul.f32 v10, v8;
	_ =	sdelay $0x1  }
0x66: {  	v11 =	vmul.f32 v10, v11;
	_ =	sdelay $0x1  }
0x67: {  	v11 =	vsub.f32 $1.500000000e+00, v11;
	_ =	sdelay $0x1  }
0x68: {  	v10 =	vmul.f32 v10, v11;
	_ =	sdelay $0x1  }
0x69: {  	[tilespmem:s2+$0x40] =	vst v4;
	v4 =	vmul.f32 v10, v8;
	_ =	sdelay $0x1  }
0x6a: {  	[tilespmem:s2+$0x50] =	vst v5;
	v4 =	vmul.f32 v4, v10  }
0x6b: {  	[tilespmem:s2+$0x60] =	vst v6  }
0x6c: {  	[tilespmem:s2+$0x70] =	vst v7;
	v4 =	vsub.f32 $1.500000000e+00, v4  }
0x6d: {  	v6 =	vld [tilespmem:s1+$0x30]  }
0x6e: {  	s3 =	simm.s32 $0x14440;
	v12 =	vld [tilespmem:s1+$0x0];
	v4 =	vmul.f32 v4, v10  }
0x6f: {  	v13 =	vld [tilespmem:s3+$0x30]  }
0x70: {  	v14 =	vld [tilespmem:s1+$0x10];
	v5 =	vmul.f32 v4, v8  }
0x71: {  	v15 =	vld [tilespmem:s1+$0x20]  }
0x72: {  	s2 =	simm.s32 $0x14040;
	v16 =	vld [tilespmem:s1+$0xFFFFFFC0];
	v5 =	vmul.f32 v5, v4  }
0x73: {  	v17 =	vld [tilespmem:s2+$0xFFFFFFC0]  }
0x74: {  	v18 =	vld [tilespmem:s2+$0xFFFFFFD0];
	v5 =	vsub.f32 $1.500000000e+00, v5  }
0x75: {  	v7 =	vld [tilespmem:s1+$0xFFFFFFD0]  }
0x76: {  	v10 =	vld [tilespmem:s1+$0xFFFFFFE0];
	v4 =	vmul.f32 v5, v4  }
0x77: {  	v8 =	vld [tilespmem:s2+$0x30]  }
0x78: {  	v11 =	vld [tilespmem:s1+$0xFFFFFFF0];
	v5 =	vmul.f32 v4, v9;
	v6 =	vmul.f32 v6, v4  }
0x79: {  	v19 =	vld [tilespmem:s2+$0xFFFFFFF0]  }
0x7a: {  	v20 =	vld [tilespmem:s2+$0x0];
	v6 =	vsub.f32 v6, v5  }
0x7b: {  	v21 =	vld [tilespmem:s2+$0x10];
	v10 =	vmul.f32 v10, v4  }
0x7c: {  	v22 =	vld [tilespmem:s2+$0x20];
	v7 =	vmul.f32 v7, v4;
	v6 =	vmul.f32 v6, v8  }
0x7d: {  	v23 =	vld [tilespmem:s3+$0xFFFFFFC0];
	v11 =	vmul.f32 v11, v4;
	v8 =	vsub.f32 v10, v5;
	v10 =	vmul.f32 v16, v4  }
0x7e: {  	v9 =	vld [tilespmem:s2+$0xFFFFFFE0];
	v12 =	vmul.f32 v12, v4;
	v7 =	vsub.f32 v7, v5;
	v6 =	vadd.f32 v6, v13  }
0x7f: {  	v24 =	vld [tilespmem:s3+$0xFFFFFFD0];
	v13 =	vmul.f32 v14, v4;
	v14 =	vmul.f32 v15, v4;
	v15 =	vsub.f32 v10, v5  }
0x80: {  	v11 =	vsub.f32 v11, v5;
	v25 =	vmul.f32 v7, v18;
	v16 =	vld [tilespmem:s3+$0xFFFFFFE0]  }
0x81: {  	v7 =	vsub.f32 v12, v5;
	v12 =	vsub.f32 v13, v5;
	v13 =	vld [tilespmem:s3+$0xFFFFFFF0];
	v15 =	vmul.f32 v15, v17  }
0x82: {  	v11 =	vmul.f32 v11, v19;
	v17 =	vsub.f32 v14, v5;
	v14 =	vld [tilespmem:s3+$0x0]  }
0x83: {  	v10 =	vmul.f32 v8, v9;
	v8 =	vmul.f32 v12, v21;
	v12 =	vld [tilespmem:s3+$0x10];
	v18 =	vadd.f32 v15, v23  }
0x84: {  	s12 =	simm.s32 $0x0;
	s14 =	sadd.s32 $0x400, s1;
	v9 =	vmul.f32 v7, v20;
	[tilespmem:s1+$0x30] =	vst v6;
	v7 =	vmul.f32 v17, v22;
	v17 =	vadd.f32 v25, v24;
	v15 =	vld [tilespmem:s3+$0x20]  }
.LBB2_6:
0x85: {  	v6 =	vld [tilespmem:s14+$0x30];
	s12 =	sadd.s32 $0x8, s12;
	[tilespmem:s1+$0xFFFFFFC0] =	vst v18;
	v10 =	vadd.f32 v10, v16  }
0x86: {  	v16 =	vld [tilespmem:s14+$0xFFFFFFD0];
	p1 =	slt.u32 s12, $0x38;
	[tilespmem:s1+$0xFFFFFFD0] =	vst v17;
	v11 =	vadd.f32 v11, v13  }
0x87: {  	v13 =	vld [tilespmem:s14+$0xFFFFFFE0];
	[tilespmem:s1+$0xFFFFFFE0] =	vst v10;
	v9 =	vadd.f32 v9, v14  }
0x88: {  	s2 =	sadd.s32 $0x80, s2;
	v10 =	vld [tilespmem:s14+$0xFFFFFFF0];
	[tilespmem:s1+$0xFFFFFFF0] =	vst v11;
	v8 =	vadd.f32 v8, v12  }
0x89: {  	v11 =	vld [tilespmem:s2+$0x30];
	[tilespmem:s1+$0x0] =	vst v9;
	v7 =	vadd.f32 v7, v15  }
0x8a: {  	s3 =	sadd.s32 $0x80, s3;
	v9 =	vld [tilespmem:s14+$0x0];
	v6 =	vmul.f32 v6, v4;
	[tilespmem:s1+$0x10] =	vst v8  }
0x8b: {  	v8 =	vmul.f32 v16, v4;
	v12 =	vld [tilespmem:s3+$0x30];
	[tilespmem:s1+$0x20] =	vst v7;
	s1 =	smov.u32 s14  }
0x8c: {  	v7 =	vmul.f32 v13, v4;
	v13 =	vld [tilespmem:s14+$0x10];
	v6 =	vsub.f32 v6, v5  }
0x8d: {  	v8 =	vsub.f32 v8, v5;
	v10 =	vmul.f32 v10, v4;
	v14 =	vld [tilespmem:s14+$0x20]  }
0x8e: {  	v15 =	vld [tilespmem:s14+$0xFFFFFFC0];
	v7 =	vsub.f32 v7, v5;
	v6 =	vmul.f32 v6, v11  }
0x8f: {  	v11 =	vld [tilespmem:s2+$0xFFFFFFC0];
	v16 =	vsub.f32 v10, v5;
	v9 =	vmul.f32 v9, v4  }
0x90: {  	v10 =	vld [tilespmem:s2+$0xFFFFFFD0];
	v6 =	vadd.f32 v6, v12  }
0x91: {  	v12 =	vld [tilespmem:s2+$0xFFFFFFE0];
	v9 =	vsub.f32 v9, v5;
	v13 =	vmul.f32 v13, v4  }
0x92: {  	v17 =	vld [tilespmem:s2+$0xFFFFFFF0];
	v14 =	vmul.f32 v14, v4;
	[tilespmem:s14+$0x30] =	vst v6;
	v6 =	vimm.f32 $0.0e+00  }
0x93: {  	v15 =	vmul.f32 v15, v4;
	v18 =	vld [tilespmem:s2+$0x0];
	v19 =	vsub.f32 v13, v5  }
0x94: {  	v20 =	vld [tilespmem:s2+$0x10];
	v21 =	vsub.f32 v14, v5  }
0x95: {  	v13 =	vsub.f32 v15, v5;
	v15 =	vmul.f32 v8, v10;
	v22 =	vld [tilespmem:s2+$0x20]  }
0x96: {  	v23 =	vld [tilespmem:s3+$0xFFFFFFC0];
	v10 =	vmul.f32 v7, v12  }
0x97: {  	v12 =	vmul.f32 v13, v11;
	v24 =	vld [tilespmem:s3+$0xFFFFFFD0];
	v11 =	vmul.f32 v16, v17  }
.Ltmp1:
0x98: {  	v16 =	vld [tilespmem:s3+$0xFFFFFFE0];
	v9 =	vmul.f32 v9, v18;
	(pc) =	sbr.rel @p1 .LBB2_6-.Ltmp1, $4  }
0x99: {  	v13 =	vld [tilespmem:s3+$0xFFFFFFF0];
	v8 =	vmul.f32 v19, v20  }
0x9a: {  	v14 =	vld [tilespmem:s3+$0x0];
	v7 =	vmul.f32 v21, v22  }
0x9b: {  	v18 =	vadd.f32 v12, v23;
	v12 =	vld [tilespmem:s3+$0x10]  }
0x9c: {  	s14 =	sadd.s32 $0x400, s14;
	v17 =	vadd.f32 v15, v24;
	v15 =	vld [tilespmem:s3+$0x20]  }
0x9d: {  	v4 =	vld [tilespmem:s4+$0xFFFFFF90]  }
0x9e: {  	v5 =	vld [tilespmem:s31+$0xFFFFFF90]  }
0x9f: {  	v19 =	vld [tilespmem:s4+$0xFFFFFFA0]  }
0xa0: {  	v20 =	vld [tilespmem:s31+$0xFFFFFFA0]  }
0xa1: {  	v21 =	vld [tilespmem:s4+$0xFFFFFFB0]  }
0xa2: {  	[tilespmem:s1+$0xFFFFFFC0] =	vst v18;
	v10 =	vadd.f32 v10, v16;
	v60 =	vld [tilespmem:s31+$0xFFFFFFB0]  }
0xa3: {  	[tilespmem:s1+$0xFFFFFFD0] =	vst v17;
	v11 =	vadd.f32 v11, v13;
	v13 =	vld [tilespmem:s4+$0xFFFFFFC0]  }
0xa4: {  	[tilespmem:s1+$0xFFFFFFE0] =	vst v10;
	v9 =	vadd.f32 v9, v14;
	v10 =	vld [tilespmem:s31+$0xFFFFFFC0];
	v4 =	vadd.f32 v5, v4  }
0xa5: {  	v14 =	vld [tilespmem:s31+$0xFFFFFFD0];
	[tilespmem:s1+$0xFFFFFFF0] =	vst v11;
	v5 =	vadd.f32 v8, v12  }
0xa6: {  	v11 =	vld [tilespmem:s4+$0xFFFFFFD0];
	[tilespmem:s1+$0x0] =	vst v9;
	v7 =	vadd.f32 v7, v15;
	v12 =	vadd.f32 v20, v19;
	v8 =	vmul.f32 v4, v4  }
0xa7: {  	v15 =	vadd.f32 v60, v21;
	[tilespmem:s1+$0x10] =	vst v5;
	v5 =	vld [tilespmem:s4+$0xFFFFFFE0]  }
0xa8: {  	[tilespmem:s1+$0x20] =	vst v7;
	v7 =	vadd.f32 v4, v6;
	v62 =	vmul.f32 v12, v12;
	v61 =	vadd.f32 v8, v6;
	v8 =	vld [tilespmem:s31+$0xFFFFFFE0]  }
0xa9: {  	[tilespmem:s30+$0xFFFFFF90] =	vst v4;
	v9 =	vadd.f32 v10, v13;
	v10 =	vld [tilespmem:s31+$0xFFFFFFF0]  }
0xaa: {  	[tilespmem:s30+$0xFFFFFFA0] =	vst v12;
	v63 =	vmul.f32 v15, v15;
	v6 =	vld [tilespmem:s4+$0xFFFFFFF0];
	v12 =	vadd.f32 v12, v7;
	v16 =	vadd.f32 v62, v61  }
0xab: {  	[tilespmem:s30+$0xFFFFFFB0] =	vst v15;
	v4 =	vadd.f32 v14, v11;
	v11 =	vld [tilespmem:s31+$0x0]  }
0xac: {  	s2 =	simm.s32 $0x0;
	s3 =	sadd.s32 $0x400, s4;
	s1 =	smov.u32 s30;
	v7 =	vld [tilespmem:s4+$0x0];
	[tilespmem:s30+$0xFFFFFFC0] =	vst v9;
	v14 =	vmul.f32 v9, v9;
	v13 =	vadd.f32 v15, v12;
	v12 =	vadd.f32 v63, v16  }
.LBB2_8:
0xad: {  	v15 =	vld [tilespmem:s3+$0xFFFFFF90];
	[tilespmem:s1+$0xFFFFFFD0] =	vst v4;
	v5 =	vadd.f32 v8, v5;
	s31 =	sadd.s32 $0x400, s31  }
0xae: {  	v8 =	vld [tilespmem:s31+$0xFFFFFF90];
	v9 =	vadd.f32 v9, v13;
	v12 =	vadd.f32 v14, v12;
	v13 =	vmul.f32 v4, v4  }
0xaf: {  	s2 =	sadd.s32 $0x8, s2;
	v14 =	vld [tilespmem:s3+$0xFFFFFFA0];
	[tilespmem:s1+$0xFFFFFFE0] =	vst v5;
	v6 =	vadd.f32 v10, v6  }
0xb0: {  	p1 =	slt.u32 s2, $0x38;
	v10 =	vld [tilespmem:s31+$0xFFFFFFA0];
	v4 =	vadd.f32 v4, v9;
	v9 =	vadd.f32 v13, v12;
	v12 =	vmul.f32 v5, v5  }
0xb1: {  	v13 =	vld [tilespmem:s3+$0xFFFFFFB0];
	[tilespmem:s1+$0xFFFFFFF0] =	vst v6;
	v7 =	vadd.f32 v11, v7  }
0xb2: {  	v11 =	vld [tilespmem:s31+$0xFFFFFFB0];
	v4 =	vadd.f32 v5, v4;
	v5 =	vadd.f32 v12, v9;
	v9 =	vmul.f32 v6, v6  }
0xb3: {  	v8 =	vadd.f32 v8, v15;
	v12 =	vld [tilespmem:s3+$0xFFFFFFC0];
	[tilespmem:s1+$0x0] =	vst v7  }
0xb4: {  	s1 =	sadd.s32 $0x400, s1;
	v15 =	vld [tilespmem:s31+$0xFFFFFFC0];
	v4 =	vadd.f32 v6, v4;
	v5 =	vadd.f32 v9, v5;
	v6 =	vmul.f32 v7, v7  }
0xb5: {  	[tilespmem:s1+$0xFFFFFF90] =	vst v8;
	v10 =	vadd.f32 v10, v14;
	v14 =	vld [tilespmem:s3+$0xFFFFFFD0]  }
0xb6: {  	v9 =	vmul.f32 v8, v8;
	v16 =	vld [tilespmem:s31+$0xFFFFFFD0];
	v4 =	vadd.f32 v7, v4;
	v6 =	vadd.f32 v6, v5  }
0xb7: {  	[tilespmem:s1+$0xFFFFFFA0] =	vst v10;
	v11 =	vadd.f32 v11, v13;
	v5 =	vld [tilespmem:s3+$0xFFFFFFE0]  }
.Ltmp2:
0xb8: {  	v13 =	vmul.f32 v10, v10;
	v4 =	vadd.f32 v8, v4;
	v7 =	vadd.f32 v9, v6;
	v8 =	vld [tilespmem:s31+$0xFFFFFFE0];
	(pc) =	sbr.rel @p1 .LBB2_8-.Ltmp2, $4  }
0xb9: {  	[tilespmem:s1+$0xFFFFFFB0] =	vst v11;
	v9 =	vadd.f32 v15, v12;
	v6 =	vld [tilespmem:s3+$0xFFFFFFF0]  }
0xba: {  	v17 =	vmul.f32 v11, v11;
	v12 =	vadd.f32 v10, v4;
	v15 =	vadd.f32 v13, v7;
	v10 =	vld [tilespmem:s31+$0xFFFFFFF0]  }
0xbb: {  	[tilespmem:s1+$0xFFFFFFC0] =	vst v9;
	v4 =	vadd.f32 v16, v14;
	v7 =	vld [tilespmem:s3+$0x0]  }
0xbc: {  	v14 =	vmul.f32 v9, v9;
	s3 =	sadd.s32 $0x400, s3;
	v13 =	vadd.f32 v11, v12;
	v12 =	vadd.f32 v17, v15;
	v11 =	vld [tilespmem:s31+$0x0]  }
0xbd: {  	_ = 	snop  }
0xbe: {  	v9 =	vadd.f32 v9, v13  }
0xbf: {  	v5 =	vadd.f32 v8, v5  }
0xc0: {  	v8 =	vadd.f32 v14, v12;
	v12 =	vmul.f32 v4, v4;
	v9 =	vadd.f32 v4, v9  }
0xc1: {  	v6 =	vadd.f32 v10, v6  }
0xc2: {  	v10 =	vmul.f32 v5, v5;
	v8 =	vadd.f32 v12, v8;
	v9 =	vadd.f32 v5, v9  }
0xc3: {  	v7 =	vadd.f32 v11, v7  }
0xc4: {  	v8 =	vadd.f32 v10, v8;
	v10 =	vmul.f32 v6, v6;
	v9 =	vadd.f32 v6, v9;
	_ =	sdelay $0x1  }
0xc5: {  	v8 =	vadd.f32 v10, v8;
	v10 =	vmul.f32 v7, v7;
	v9 =	vadd.f32 v7, v9;
	_ =	sdelay $0x1  }
0xc6: {  	v8 =	vadd.f32 v10, v8;
	v10 =	vperm.xlane v9, v0;
	_ =	sdelay $0x1  }
0xc7: {  	v9 =	vadd.f32 v10, v9;
	v10 =	vperm.xlane v8, v0;
	_ =	sdelay $0x1  }
0xc8: {  	v11 =	vperm.xlane v9, v1;
	v8 =	vadd.f32 v10, v8;
	_ =	sdelay $0x1  }
0xc9: {  	v9 =	vadd.f32 v11, v9;
	v10 =	vperm.xlane v8, v1;
	_ =	sdelay $0x1  }
0xca: {  	v11 =	vperm.xlane v9, v2;
	v8 =	vadd.f32 v10, v8;
	_ =	sdelay $0x1  }
0xcb: {  	v9 =	vadd.f32 v11, v9;
	v10 =	vperm.xlane v8, v2;
	_ =	sdelay $0x1  }
0xcc: {  	v11 =	vperm.xlane v9, v3;
	v8 =	vadd.f32 v10, v8;
	_ =	sdelay $0x1  }
0xcd: {  	v9 =	vadd.f32 v11, v9;
	v10 =	vperm.xlane v8, v3;
	_ =	sdelay $0x1  }
0xce: {  	v9 =	vmul.f32 $9.765625000e-04, v9;
	v8 =	vadd.f32 v10, v8;
	_ =	sdelay $0x1  }
0xcf: {  	v8 =	vmul.f32 $9.765625000e-04, v8;
	v10 =	vmul.f32 v9, v9;
	_ =	sdelay $0x1  }
0xd0: {  	v8 =	vsub.f32 v8, v10;
	_ =	sdelay $0x1  }
0xd1: {  	v8 =	vadd.f32 $9.999999740e-06, v8;
	_ =	sdelay $0x1  }
0xd2: {  	v10 =	vshra.s32 v8, $0x1;
	v8 =	vmul.f32 $5.000000000e-01, v8  }
0xd3: {  	v10 =	vsub.s32 $0x5F3759DF, v10  }
0xd4: {  	v11 =	vmul.f32 v10, v8;
	_ =	sdelay $0x1  }
0xd5: {  	v11 =	vmul.f32 v10, v11;
	_ =	sdelay $0x1  }
0xd6: {  	v11 =	vsub.f32 $1.500000000e+00, v11;
	_ =	sdelay $0x1  }
0xd7: {  	v10 =	vmul.f32 v10, v11;
	_ =	sdelay $0x1  }
0xd8: {  	[tilespmem:s1+$0xFFFFFFD0] =	vst v4;
	v4 =	vmul.f32 v10, v8;
	_ =	sdelay $0x1  }
0xd9: {  	[tilespmem:s1+$0xFFFFFFE0] =	vst v5;
	v4 =	vmul.f32 v4, v10  }
0xda: {  	[tilespmem:s1+$0xFFFFFFF0] =	vst v6  }
0xdb: {  	[tilespmem:s1+$0x0] =	vst v7;
	v4 =	vsub.f32 $1.500000000e+00, v4  }
0xdc: {  	v6 =	vld [tilespmem:s30+$0x0]  }
0xdd: {  	s2 =	simm.s32 $0x14440;
	v12 =	vld [tilespmem:s30+$0xFFFFFFD0];
	v4 =	vmul.f32 v4, v10  }
0xde: {  	v13 =	vld [tilespmem:s2+$0x30]  }
0xdf: {  	v14 =	vld [tilespmem:s30+$0xFFFFFFE0];
	v5 =	vmul.f32 v4, v8  }
0xe0: {  	v15 =	vld [tilespmem:s30+$0xFFFFFFF0]  }
0xe1: {  	s1 =	simm.s32 $0x14040;
	v16 =	vld [tilespmem:s30+$0xFFFFFF90];
	v5 =	vmul.f32 v5, v4  }
0xe2: {  	v17 =	vld [tilespmem:s1+$0xFFFFFFC0]  }
0xe3: {  	v7 =	vld [tilespmem:s30+$0xFFFFFFA0];
	v5 =	vsub.f32 $1.500000000e+00, v5  }
0xe4: {  	v11 =	vld [tilespmem:s30+$0xFFFFFFC0]  }
0xe5: {  	v10 =	vld [tilespmem:s30+$0xFFFFFFB0];
	v4 =	vmul.f32 v5, v4  }
0xe6: {  	v8 =	vld [tilespmem:s1+$0x30]  }
0xe7: {  	v18 =	vld [tilespmem:s1+$0xFFFFFFD0];
	v5 =	vmul.f32 v4, v9;
	v6 =	vmul.f32 v6, v4  }
0xe8: {  	v19 =	vld [tilespmem:s1+$0xFFFFFFF0]  }
0xe9: {  	v20 =	vld [tilespmem:s1+$0x0];
	v6 =	vsub.f32 v6, v5  }
0xea: {  	v21 =	vld [tilespmem:s1+$0x10];
	v10 =	vmul.f32 v10, v4;
	v11 =	vmul.f32 v11, v4  }
0xeb: {  	v22 =	vld [tilespmem:s1+$0x20];
	v7 =	vmul.f32 v7, v4;
	v6 =	vmul.f32 v6, v8  }
0xec: {  	v9 =	vld [tilespmem:s1+$0xFFFFFFE0];
	v8 =	vsub.f32 v10, v5;
	v10 =	vsub.f32 v11, v5;
	v11 =	vmul.f32 v16, v4  }
0xed: {  	v12 =	vmul.f32 v12, v4;
	v7 =	vsub.f32 v7, v5;
	v16 =	vld [tilespmem:s2+$0xFFFFFFC0]  }
0xee: {  	v24 =	vld [tilespmem:s2+$0xFFFFFFD0];
	v23 =	vadd.f32 v6, v13;
	v6 =	vmul.f32 v14, v4;
	v14 =	vsub.f32 v11, v5  }
0xef: {  	v13 =	vmul.f32 v15, v4;
	v11 =	vld [tilespmem:s2+$0xFFFFFFE0]  }
0xf0: {  	v15 =	vmul.f32 v7, v18;
	v7 =	vsub.f32 v12, v5;
	v12 =	vld [tilespmem:s2+$0xFFFFFFF0];
	v17 =	vmul.f32 v14, v17  }
0xf1: {  	v8 =	vmul.f32 v8, v9;
	v6 =	vsub.f32 v6, v5;
	v18 =	vsub.f32 v13, v5;
	v13 =	vld [tilespmem:s2+$0x0]  }
0xf2: {  	v10 =	vmul.f32 v10, v19;
	v9 =	vmul.f32 v7, v20;
	v14 =	vld [tilespmem:s2+$0x10];
	v17 =	vadd.f32 v17, v16  }
0xf3: {  	s3 =	simm.s32 $0x0;
	s4 =	sadd.s32 $0x400, s30;
	[tilespmem:s30+$0x0] =	vst v23;
	v6 =	vmul.f32 v6, v21;
	v7 =	vmul.f32 v18, v22;
	v16 =	vadd.f32 v15, v24;
	v15 =	vld [tilespmem:s2+$0x20]  }
.LBB2_10:
0xf4: {  	v18 =	vld [tilespmem:s4+$0x0];
	s3 =	sadd.s32 $0x8, s3;
	[tilespmem:s30+$0xFFFFFF90] =	vst v17;
	v8 =	vadd.f32 v8, v11  }
0xf5: {  	v11 =	vld [tilespmem:s4+$0xFFFFFFA0];
	p1 =	slt.u32 s3, $0x38;
	[tilespmem:s30+$0xFFFFFFA0] =	vst v16;
	v10 =	vadd.f32 v10, v12  }
0xf6: {  	v12 =	vld [tilespmem:s4+$0xFFFFFFB0];
	[tilespmem:s30+$0xFFFFFFB0] =	vst v8;
	v8 =	vadd.f32 v9, v13  }
0xf7: {  	s1 =	sadd.s32 $0x80, s1;
	v9 =	vld [tilespmem:s4+$0xFFFFFFC0];
	[tilespmem:s30+$0xFFFFFFC0] =	vst v10;
	v6 =	vadd.f32 v6, v14  }
0xf8: {  	v10 =	vld [tilespmem:s1+$0x30];
	[tilespmem:s30+$0xFFFFFFD0] =	vst v8;
	v7 =	vadd.f32 v7, v15  }
0xf9: {  	s2 =	sadd.s32 $0x80, s2;
	v8 =	vld [tilespmem:s4+$0xFFFFFFD0];
	v13 =	vmul.f32 v18, v4;
	[tilespmem:s30+$0xFFFFFFE0] =	vst v6  }
0xfa: {  	v6 =	vmul.f32 v11, v4;
	v11 =	vld [tilespmem:s2+$0x30];
	[tilespmem:s30+$0xFFFFFFF0] =	vst v7;
	s30 =	smov.u32 s4  }
0xfb: {  	v7 =	vmul.f32 v12, v4;
	v12 =	vld [tilespmem:s4+$0xFFFFFFE0];
	v13 =	vsub.f32 v13, v5  }
0xfc: {  	v6 =	vsub.f32 v6, v5;
	v9 =	vmul.f32 v9, v4;
	v14 =	vld [tilespmem:s4+$0xFFFFFFF0]  }
0xfd: {  	v15 =	vld [tilespmem:s4+$0xFFFFFF90];
	v7 =	vsub.f32 v7, v5;
	v10 =	vmul.f32 v13, v10  }
0xfe: {  	v13 =	vld [tilespmem:s1+$0xFFFFFFC0];
	v9 =	vsub.f32 v9, v5;
	v8 =	vmul.f32 v8, v4  }
0xff: {  	v16 =	vld [tilespmem:s1+$0xFFFFFFD0];
	v10 =	vadd.f32 v10, v11  }
0x100: {  	v11 =	vld [tilespmem:s1+$0xFFFFFFE0];
	v17 =	vsub.f32 v8, v5;
	v8 =	vmul.f32 v12, v4  }
0x101: {  	v12 =	vld [tilespmem:s1+$0xFFFFFFF0];
	v14 =	vmul.f32 v14, v4;
	[tilespmem:s4+$0x0] =	vst v10  }
0x102: {  	v10 =	vmul.f32 v15, v4;
	v15 =	vld [tilespmem:s1+$0x0];
	v18 =	vsub.f32 v8, v5  }
0x103: {  	v19 =	vld [tilespmem:s1+$0x10];
	v14 =	vsub.f32 v14, v5  }
0x104: {  	v10 =	vsub.f32 v10, v5;
	v16 =	vmul.f32 v6, v16;
	v20 =	vld [tilespmem:s1+$0x20]  }
0x105: {  	v21 =	vld [tilespmem:s2+$0xFFFFFFC0];
	v8 =	vmul.f32 v7, v11  }
0x106: {  	v22 =	vmul.f32 v10, v13;
	v23 =	vld [tilespmem:s2+$0xFFFFFFD0];
	v10 =	vmul.f32 v9, v12  }
.Ltmp3:
0x107: {  	v11 =	vld [tilespmem:s2+$0xFFFFFFE0];
	v9 =	vmul.f32 v17, v15;
	(pc) =	sbr.rel @p1 .LBB2_10-.Ltmp3, $4  }
0x108: {  	v12 =	vld [tilespmem:s2+$0xFFFFFFF0];
	v6 =	vmul.f32 v18, v19  }
0x109: {  	v13 =	vld [tilespmem:s2+$0x0];
	v7 =	vmul.f32 v14, v20  }
0x10a: {  	v17 =	vadd.f32 v22, v21;
	v14 =	vld [tilespmem:s2+$0x10]  }
0x10b: {  	s4 =	sadd.s32 $0x400, s4;
	v16 =	vadd.f32 v16, v23;
	v15 =	vld [tilespmem:s2+$0x20]  }
0x10c: {  	[tilespmem:s30+$0xFFFFFF90] =	vst v17;
	v4 =	vadd.f32 v8, v11  }
0x10d: {  	p1 =	slt.u32 s29, $0xE;
	[tilespmem:s30+$0xFFFFFFA0] =	vst v16;
	v5 =	vadd.f32 v10, v12  }
.Ltmp4:
0x10e: {  	[tilespmem:s30+$0xFFFFFFB0] =	vst v4;
	v4 =	vadd.f32 v9, v13;
	(pc) =	sbr.rel @p1 .LBB2_3-.Ltmp4, $4  }
0x10f: {  	[tilespmem:s30+$0xFFFFFFC0] =	vst v5;
	v5 =	vadd.f32 v6, v14  }
0x110: {  	[tilespmem:s30+$0xFFFFFFD0] =	vst v4;
	v4 =	vadd.f32 v7, v15  }
0x111: {  	[tilespmem:s30+$0xFFFFFFE0] =	vst v5  }
0x112: {  	s29 =	sadd.s32 $0x2, s29;
	s28 =	sadd.s32 $0x800, s28;
	s26 =	sadd.s32 $0x1, s26;
	[tilespmem:s30+$0xFFFFFFF0] =	vst v4  }
0x113: {  	s1 =	sshll.u32 s19, $0x2  }
0x114: {  	s2 =	sshll.u32 s20, $0xC;
	s1 =	sand.u32 $0x70, s1  }
0x115: {  	s1 =	sor.u32 s1, s2  }
0x116: {  	s1 =	sor.u32 s6, s1  }
0x117: {  	s1 =	sshll.u32 s1, $0x7  }
0x118: {  	s31 =	sor.u32 $0x8000, s21;
	p1 =	sgt.u32 s19, $0x1D;
	s1 =	sadd.s32 s5, s1  }
0x119: {  	[hbm4b:s1+s7] =	stream.linear.scatter [tilespmem:s31], [sflag:$0x2], $0x4000, $0x38;
	[tilespmem:$0x14800] =	vst v63  }
0x11a: {  	s1 =	sadd.s32 @!p1 $0x2, s19  }
0x11b: {  	s2 =	sshll.u32 @!p1 s1, $0xC  }
0x11c: {  	s1 =	sshll.u32 @!p1 s1, $0x2;
	s2 =	sand.u32 @!p1 $0x3000, s2  }
0x11d: {  	s1 =	sand.u32 @!p1 $0xF0, s1;
	s2 =	sor.u32 @!p1 s6, s2  }
0x11e: {  	s1 =	sadd.s32 @!p1 s1, s2  }
0x11f: {  	s1 =	sshll.u32 @!p1 s1, $0x7  }
0x120: {  	s19 =	sadd.s32 $0x1, s19;
	s2 =	simm.s32 @!p1 $0x0;
	s1 =	sadd.s32 @!p1 s0, s1  }
0x121: {  	[tilespmem:s21], [sflag:$0x1] =	stream.linear.gather @!p1 [hbm4b:s1+s2], $0x4000, $0x38;
	[tilespmem:$0x14800] =	vst v63  }
0x122: {  	p1 =	sne.s32 s19, $0x20  }
.Ltmp5:
0x123: {  	_ = 	snop;
	(pc) =	sbr.rel @p1 .LBB2_2-.Ltmp5, $2  }
0x124: {  	_ =	sdelay $0x2  }
0x125: {  	p0 =	por !p0, !p0  }
0x126: {  	s18 =	sadd.s32 $0x1, s18  }
0x127: {  	_ =	swait.ge [sflag:s17], $0x4000;
	p0 =	sne.s32 s18, s11  }
.Ltmp6:
0x128: {  	[sflag:s17] =	ssyncset.done $0x0;
	(pc) =	sbr.rel @p0 .LBB2_1-.Ltmp6, $4  }
0x129: {  	[sflag:s17] =	ssyncadd.s32 $0xFFFFC000  }
0x12a: {  	_ =	swait.ge [sflag:s17], $0x4000  }
0x12b: {  	[sflag:s17] =	ssyncset.done $0x0  }
0x12c: {  	[sflag:s17] =	ssyncadd.s32 $0xFFFFC000  }
0x12d: {  	_ =	sfence.sel $0x180000  }
0x12e: {  	[bflag:$0x0] =	sbarrier.arrive $0xFFFF  }
0x12f: {  	_ =	strace $0x90000047  }
0x130: {  	s0 =	stileid.u32;
	[bflag:$0x2] =	sbarrier.arrive $0xFFFF  }
0x131: {  	p0 =	sne.s32 s0, $0x0;
	s0 =	rddreg [dreg:$0x5]  }
0x132: {  	s0 =	sadd.s32 @!p0 $0x100000, s0  }
0x133: {  	[sflag:s0] =	ssyncadd.tile.s32 @!p0 $0x1;
	_ =	shalt  }
.Lfunc_end2:
_tile_overlayer_lowered:
.L_overlay_start_2:
0x134: {  	(tag) =	ssettag $0x2  }
0x135: {  	s0 =	rddreg [dreg:$0x0];
	s2 =	stileid.u32  }
0x136: {  	s1 =	rddreg [dreg:$0x1];
	p0 =	sne.s32 s2, $0x0  }
0x137: {  	s3 =	rddreg [dreg:$0x2];
	[bflag:$0x3] =	sbarrier.arrive $0xFFFF;
	s2 =	simm.s32 @!p0 $0x1C03  }
0x138: {  	[timem:s3], [sflag:s2] =	dma.local @!p0 [hbm:s0], s1  }
0x139: {  	s0 =	simm.s32 @!p0 $0x3  }
0x13a: {  	_ =	swait.ge @!p0 [sflag:s0], s1  }
0x13b: {  	s1 =	ssub.s32 @!p0 $0x0, s1;
	[sflag:s0] =	ssyncset.done @!p0 $0x0  }
0x13c: {  	[sflag:s0] =	ssyncadd.s32 @!p0 s1  }
0x13d: {  	[bflag:$0x3] =	sbarrier.arrive $0xFFFF  }
0x13e: {  	_ =	shalt  }

</sc_bundles>
